<compile_context>
chip_gen: v7x
topology: tpu7x:2x2x1
jax: 0.10.2.dev20260603
libtpu: 0.0.44.dev20260713+nightly
codegen_flags: <defaults>
</compile_context>

<pallas_src>
import functools

import jax
import jax.numpy as jnp
from jax import lax
from jax.experimental import pallas as pl
from jax.experimental.pallas import tpu as pltpu
from jax.experimental.pallas import tpu_sc as plsc

_RING = 8


@functools.lru_cache(maxsize=None)
def _make_gather_kernel(V, D, B):
    info = plsc.get_sparse_core_info()
    NC, NS, L = info.num_cores, info.num_subcores, info.num_lanes
    NW = NC * NS
    assert D == L and B % NW == 0 and (B // NW) % 8 == 0
    assert (B // NW) % _RING == 0
    b_per_w = B // NW
    n_full = V // 128
    tail = V - n_full * 128
    mesh = plsc.VectorSubcoreMesh(core_axis_name="c", subcore_axis_name="s")

    @functools.partial(
        pl.kernel,
        mesh=mesh,
        out_type=jax.ShapeDtypeStruct((NW * D * b_per_w,), jnp.float32),
        scratch_types=[
            pltpu.VMEM((b_per_w + 16,), jnp.int32),
            pltpu.VMEM((_RING, D, 128), jnp.float32),
            pltpu.VMEM((D * b_per_w,), jnp.float32),
            pltpu.VMEM((max(D * tail, 8),), jnp.float32),
            pltpu.SemaphoreType.DMA,
            *([pltpu.SemaphoreType.DMA] * _RING),
        ],
        compiler_params=pltpu.CompilerParams(needs_layout_passes=False),
    )
    def gather_kernel(
        tabT_hbm, tail_hbm, idx_hbm, out_hbm, idx_v, ring_v, stg_v, tail_v,
        sem_i, *sems
    ):
        wid = lax.axis_index("s") * NC + lax.axis_index("c")
        base = wid * b_per_w
        pltpu.async_copy(
            idx_hbm.at[pl.ds(base, b_per_w)], idx_v.at[pl.ds(0, b_per_w)], sem_i
        ).wait()

        def id_at(i):
            return idx_v[pl.ds(i, 16)][0]
        if tail:
            pltpu.sync_copy(tail_hbm, tail_v)

        def fire(i, j):
            c = id_at(i) >> 7

            @pl.when(c < n_full)
            def _():
                start = pl.multiple_of(c * 128, 128)
                pltpu.make_async_copy(
                    tabT_hbm.at[:, pl.ds(start, 128)], ring_v.at[j], sems[j]
                ).start()

        def drain(i, j):
            c = id_at(i) >> 7

            @pl.when(c < n_full)
            def _():
                pltpu.make_async_copy(
                    tabT_hbm.at[:, pl.ds(0, 128)], ring_v.at[j], sems[j]
                ).wait()

        def extract(i, j):
            v = id_at(i)
            c = v >> 7
            vsplat = jnp.broadcast_to(v, (D,))
            d16 = lax.iota(jnp.int32, D)

            @pl.when(c < n_full)
            def _():
                col = plsc.load_gather(ring_v.at[j], [d16, vsplat & 127])
                plsc.store_scatter(stg_v, [d16 * b_per_w + i], col)

            if tail:
                @pl.when(c >= n_full)
                def _():
                    col = plsc.load_gather(tail_v, [d16 * tail + (vsplat - n_full * 128)])
                    plsc.store_scatter(stg_v, [d16 * b_per_w + i], col)

        def outer(g, carry):
            for j in range(_RING):
                i = g * _RING + j

                @pl.when(g > 0)
                def _():
                    drain(i - _RING, j)
                    extract(i - _RING, j)

                @pl.when(i < b_per_w)
                def _():
                    fire(i, j)

            return carry

        lax.fori_loop(0, b_per_w // _RING + 1, outer, 0)
        d16 = lax.iota(jnp.int32, D)
        chk = plsc.load_gather(stg_v, [d16 * b_per_w + (b_per_w - 1)])
        dep = lax.reduce_max(plsc.bitcast(chk, jnp.int32), (0,)) & 0
        pltpu.sync_copy(stg_v, out_hbm.at[pl.ds(base * D + dep, D * b_per_w)])

    return gather_kernel


def kernel(inputs, table):
    V, D = table.shape
    B = inputs.shape[0]
    info = plsc.get_sparse_core_info()
    NW = info.num_cores * info.num_subcores
    b_per_w = B // NW
    n_full = V // 128
    tail = V - n_full * 128
    idx = jnp.reshape(inputs, (-1,)).astype(jnp.int32)
    if tail:
        tailT = jnp.reshape(table[n_full * 128 :, :].T, (-1,))
    else:
        tailT = jnp.zeros((8,), jnp.float32)
    out1 = _make_gather_kernel(V, D, B)(table.T, tailT, idx)
    return out1.reshape(NW, D, b_per_w).transpose(1, 0, 2).reshape(D, B).T

# --- scband reference (transcript-rebuilt; emitter-appended) ---
"""Pipeline reference for scband-categorical-embed-encoder-81183471829466 (READ-ONLY COPY).

The authoritative reference and input builder live on the scoring server;
editing this copy changes nothing except your own understanding.
"""

import jax, jax.numpy as jnp
import numpy as np

VOCAB = 1000000
EMBED = 16
BATCH = 16384

def setup_inputs(seed: int = 0) -> dict:
    key = jax.random.key(seed)
    k_idx, k_tab = jax.random.split(key)
    inputs = jax.random.randint(k_idx, (BATCH, 1), 0, VOCAB, dtype=jnp.int64 if jax.config.read('jax_enable_x64') else jnp.int32)
    table = jax.random.normal(k_tab, (VOCAB, EMBED), dtype=jnp.float32) * 0.05
    return {"inputs": inputs, "table": table}

def reference(inputs, table):
    # CategoricalEmbedEncoder: dense embedding lookup of [batch, 1] int ids
    # returning [batch, embed_size] float32 (dropout_rate=0, inference mode)
    idx = jnp.reshape(inputs, (-1,))  # [batch]
    embedded = jnp.take(table, idx, axis=0)  # [batch, embed]
    return embedded

if __name__ == "__main__":
    import jax
    _d = setup_inputs()
    print(jax.jit(kernel)(*tuple(_d.values())))

</pallas_src>

<mosaic_0001>
#map = affine_map<(d0, d1) -> (0, 0)>
#map1 = affine_map<(d0, d1) -> (0)>
module attributes {stable_mosaic.version = 14 : i64} {
  func.func @gather_kernel(%arg0: i32, %arg1: i32, %arg2: memref<16x1000000xf32, #tpu.memory_space<hbm>>, %arg3: memref<1024xf32, #tpu.memory_space<hbm>>, %arg4: memref<16384xi32, #tpu.memory_space<hbm>>, %arg5: memref<262144xf32, #tpu.memory_space<hbm>>, %arg6: memref<528xi32, #tpu.memory_space<vmem>>, %arg7: memref<8x16x128xf32, #tpu.memory_space<vmem>>, %arg8: memref<8192xf32, #tpu.memory_space<vmem>>, %arg9: memref<1024xf32, #tpu.memory_space<vmem>>, %arg10: memref<!tpu.dma_semaphore, #tpu.memory_space<semaphore_mem>>, %arg11: memref<!tpu.dma_semaphore, #tpu.memory_space<semaphore_mem>>, %arg12: memref<!tpu.dma_semaphore, #tpu.memory_space<semaphore_mem>>, %arg13: memref<!tpu.dma_semaphore, #tpu.memory_space<semaphore_mem>>, %arg14: memref<!tpu.dma_semaphore, #tpu.memory_space<semaphore_mem>>, %arg15: memref<!tpu.dma_semaphore, #tpu.memory_space<semaphore_mem>>, %arg16: memref<!tpu.dma_semaphore, #tpu.memory_space<semaphore_mem>>, %arg17: memref<!tpu.dma_semaphore, #tpu.memory_space<semaphore_mem>>, %arg18: memref<!tpu.dma_semaphore, #tpu.memory_space<semaphore_mem>>) attributes {dimension_semantics = [#tpu.dimension_semantics<core_parallel>, #tpu.dimension_semantics<subcore_parallel>], iteration_bounds = array<i64: 2, 16>, scalar_prefetch = 0 : i64, scratch_operands = 13 : i64, tpu.core_type = #tpu.core_type<sc_vector_subcore>, window_params = [{transform_indices = #map}, {transform_indices = #map1}, {transform_indices = #map1}, {transform_indices = #map1}]} {
    %mul3A = arith.constant 2 : i32
    %mul3A_0 = arith.muli %arg1, %mul3A : i32
    %add3A = arith.addi %mul3A_0, %arg0 : i32
    %mul3A_1 = arith.constant 512 : i32
    %mul3A_2 = arith.muli %add3A, %mul3A_1 : i32
    %dma_start3A = arith.constant 0 : i32
    %dma_start3A_3 = tpu.memref_slice %arg6[%dma_start3A] : memref<528xi32, #tpu.memory_space<vmem>> -> memref<512xi32, #tpu.memory_space<vmem>>
    %dma_start3A_4 = tpu.memref_slice %arg4[%mul3A_2] : memref<16384xi32, #tpu.memory_space<hbm>> -> memref<512xi32, #tpu.memory_space<hbm>>
    %dma_start3A_5 = arith.constant 0 : i32
    %dma_start3A_6 = tpu.memref_slice %arg6[%dma_start3A_5] : memref<528xi32, #tpu.memory_space<vmem>> -> memref<512xi32, #tpu.memory_space<vmem>>
    %dma_start3A_7 = tpu.memref_slice %arg4[%mul3A_2] : memref<16384xi32, #tpu.memory_space<hbm>> -> memref<512xi32, #tpu.memory_space<hbm>>
    tpu.enqueue_dma source(%dma_start3A_7 : memref<512xi32, #tpu.memory_space<hbm>>) target(%dma_start3A_6 : memref<512xi32, #tpu.memory_space<vmem>>) target_semaphore(%arg10 : memref<!tpu.dma_semaphore, #tpu.memory_space<semaphore_mem>>)
    %dma_wait3A = arith.constant 0 : i32
    %dma_wait3A_8 = tpu.memref_slice %arg6[%dma_wait3A] : memref<528xi32, #tpu.memory_space<vmem>> -> memref<512xi32, #tpu.memory_space<vmem>>
    %dma_wait3A_9 = tpu.memref_slice %arg4[%mul3A_2] : memref<16384xi32, #tpu.memory_space<hbm>> -> memref<512xi32, #tpu.memory_space<hbm>>
    %dma_wait3A_10 = arith.constant 0 : i32
    %dma_wait3A_11 = tpu.memref_slice %arg6[%dma_wait3A_10] : memref<528xi32, #tpu.memory_space<vmem>> -> memref<512xi32, #tpu.memory_space<vmem>>
    %dma_wait3A_12 = tpu.memref_slice %arg4[%mul3A_2] : memref<16384xi32, #tpu.memory_space<hbm>> -> memref<512xi32, #tpu.memory_space<hbm>>
    tpu.wait_dma2 semaphore(%arg10 : memref<!tpu.dma_semaphore, #tpu.memory_space<semaphore_mem>>) src(%dma_wait3A_12 : memref<512xi32, #tpu.memory_space<hbm>>) dst(%dma_wait3A_11 : memref<512xi32, #tpu.memory_space<vmem>>)
    "tpu.region"() ({
      %run_scoped3A = tpu.sem_alloc : memref<!tpu.dma_semaphore, #tpu.memory_space<semaphore_mem>>
      tpu.enqueue_dma source(%arg3 : memref<1024xf32, #tpu.memory_space<hbm>>) target(%arg9 : memref<1024xf32, #tpu.memory_space<vmem>>) target_semaphore(%run_scoped3A : memref<!tpu.dma_semaphore, #tpu.memory_space<semaphore_mem>>)
      tpu.wait_dma2 semaphore(%run_scoped3A : memref<!tpu.dma_semaphore, #tpu.memory_space<semaphore_mem>>) src(%arg3 : memref<1024xf32, #tpu.memory_space<hbm>>) dst(%arg9 : memref<1024xf32, #tpu.memory_space<vmem>>)
      tpu.yield
    }) : () -> ()
    %scan3A = arith.constant 0 : i32
    %scan3A_13 = arith.constant 0 : i32
    %scan3A_14 = arith.constant 65 : i32
    %scan3A_15 = arith.addi %scan3A_13, %scan3A_14 : i32
    %scan3A_16 = arith.constant 1 : i32
    scf.for %scan3A_35 = %scan3A_13 to %scan3A_15 step %scan3A_16  : i32 {
      %mul3A_36 = arith.constant 8 : i32
      %mul3A_37 = arith.muli %scan3A_35, %mul3A_36 : i32
      %add3A_38 = arith.constant 0 : i32
      %add3A_39 = arith.addi %mul3A_37, %add3A_38 : i32
      %gt3A = arith.constant 0 : i32
      %gt3A_40 = arith.cmpi sgt, %scan3A_35, %gt3A : i32
      %convert_element_type3A = arith.extui %gt3A_40 : i1 to i32
      %cond3A = arith.constant 0 : i32
      %cond3A_41 = arith.cmpi ne, %convert_element_type3A, %cond3A : i32
      scf.if %cond3A_41 {
        %sub3A = arith.constant 8 : i32
        %sub3A_144 = arith.subi %add3A_39, %sub3A : i32
        %get3A = arith.index_cast %sub3A_144 : i32 to index
        %get3A_145 = tpu.vector_load %arg6[%get3A] {strides = array<i32>} : memref<528xi32, #tpu.memory_space<vmem>>, vector<16xi32>,
        %slice3A = vector.extract_strided_slice %get3A_145 {offsets = [0], sizes = [1], strides = [1]} : vector<16xi32> to vector<1xi32>
        %squeeze3A = vector.extract %slice3A[0] : i32 from vector<1xi32>
        %shift_right_arithmetic3A = arith.constant 7 : i32
        %shift_right_arithmetic3A_146 = arith.shrsi %squeeze3A, %shift_right_arithmetic3A : i32
        %lt3A_147 = arith.constant 7812 : i32
        %lt3A_148 = arith.cmpi slt, %shift_right_arithmetic3A_146, %lt3A_147 : i32
        %convert_element_type3A_149 = arith.extui %lt3A_148 : i1 to i32
        %cond3A_150 = arith.constant 0 : i32
        %cond3A_151 = arith.cmpi ne, %convert_element_type3A_149, %cond3A_150 : i32
        scf.if %cond3A_151 {
          %dma_wait3A_170 = arith.constant 0 : i32
          %dma_wait3A_171 = arith.constant 0 : i32
          %dma_wait3A_172 = arith.constant 0 : i32
          %dma_wait3A_173 = tpu.memref_slice %arg7[%dma_wait3A_170, %dma_wait3A_171, %dma_wait3A_172] : memref<8x16x128xf32, #tpu.memory_space<vmem>> -> memref<1x16x128xf32, #tpu.memory_space<vmem>>
          %dma_wait3A_174 = tpu.memref_squeeze %dma_wait3A_173 : memref<1x16x128xf32, #tpu.memory_space<vmem>> -> memref<16x128xf32, #tpu.memory_space<vmem>>
          %dma_wait3A_175 = arith.constant 0 : i32
          %dma_wait3A_176 = arith.constant 0 : i32
          %dma_wait3A_177 = tpu.memref_slice %arg2[%dma_wait3A_175, %dma_wait3A_176] : memref<16x1000000xf32, #tpu.memory_space<hbm>> -> memref<16x128xf32, #tpu.memory_space<hbm>>
          %dma_wait3A_178 = arith.constant 0 : i32
          %dma_wait3A_179 = arith.constant 0 : i32
          %dma_wait3A_180 = tpu.memref_slice %arg7[%dma_wait3A_170, %dma_wait3A_178, %dma_wait3A_179] : memref<8x16x128xf32, #tpu.memory_space<vmem>> -> memref<1x16x128xf32, #tpu.memory_space<vmem>>
          %dma_wait3A_181 = tpu.memref_squeeze %dma_wait3A_180 : memref<1x16x128xf32, #tpu.memory_space<vmem>> -> memref<16x128xf32, #tpu.memory_space<vmem>>
          %dma_wait3A_182 = arith.constant 0 : i32
          %dma_wait3A_183 = arith.constant 0 : i32
          %dma_wait3A_184 = tpu.memref_slice %arg2[%dma_wait3A_182, %dma_wait3A_183] : memref<16x1000000xf32, #tpu.memory_space<hbm>> -> memref<16x128xf32, #tpu.memory_space<hbm>>
          tpu.wait_dma2 semaphore(%arg11 : memref<!tpu.dma_semaphore, #tpu.memory_space<semaphore_mem>>) src(%dma_wait3A_184 : memref<16x128xf32, #tpu.memory_space<hbm>>) dst(%dma_wait3A_181 : memref<16x128xf32, #tpu.memory_space<vmem>>)
        } else {
        }
        %sub3A_152 = arith.constant 8 : i32
        %sub3A_153 = arith.subi %add3A_39, %sub3A_152 : i32
        %get3A_154 = arith.index_cast %sub3A_153 : i32 to index
        %get3A_155 = tpu.vector_load %arg6[%get3A_154] {strides = array<i32>} : memref<528xi32, #tpu.memory_space<vmem>>, vector<16xi32>,
        %slice3A_156 = vector.extract_strided_slice %get3A_155 {offsets = [0], sizes = [1], strides = [1]} : vector<16xi32> to vector<1xi32>
        %squeeze3A_157 = vector.extract %slice3A_156[0] : i32 from vector<1xi32>
        %shift_right_arithmetic3A_158 = arith.constant 7 : i32
        %shift_right_arithmetic3A_159 = arith.shrsi %squeeze3A_157, %shift_right_arithmetic3A_158 : i32
        %broadcast_in_dim3A = vector.broadcast %squeeze3A_157 : i32 to vector<16xi32>
        %iota3A_160 = tpu.iota {dimensions = array<i32: 0>} : vector<16xi32>
        %lt3A_161 = arith.constant 7812 : i32
        %lt3A_162 = arith.cmpi slt, %shift_right_arithmetic3A_159, %lt3A_161 : i32
        %convert_element_type3A_163 = arith.extui %lt3A_162 : i1 to i32
        %cond3A_164 = arith.constant 0 : i32
        %cond3A_165 = arith.cmpi ne, %convert_element_type3A_163, %cond3A_164 : i32
        scf.if %cond3A_165 {
          %and3A_170 = arith.constant 127 : i32
          %and3A_171 = vector.broadcast %and3A_170 : i32 to vector<16xi32>
          %and3A_172 = arith.andi %broadcast_in_dim3A, %and3A_171 : vector<16xi32>
          %gather3A_173 = arith.constant 0 : i32
          %gather3A_174 = arith.constant 0 : i32
          %gather3A_175 = arith.constant 0 : i32
          %gather3A_176 = tpu.memref_slice %arg7[%gather3A_173, %gather3A_174, %gather3A_175] : memref<8x16x128xf32, #tpu.memory_space<vmem>> -> memref<1x16x128xf32, #tpu.memory_space<vmem>>
          %gather3A_177 = tpu.memref_squeeze %gather3A_176 : memref<1x16x128xf32, #tpu.memory_space<vmem>> -> memref<16x128xf32, #tpu.memory_space<vmem>>
          %gather3A_178 = tpu.vector_load_idx %gather3A_177[%iota3A_160, %and3A_172] : memref<16x128xf32, #tpu.memory_space<vmem>>[vector<16xi32>, vector<16xi32>], vector<16xf32>,
          %mul3A_179 = arith.constant 512 : i32
          %mul3A_180 = vector.broadcast %mul3A_179 : i32 to vector<16xi32>
          %mul3A_181 = arith.muli %iota3A_160, %mul3A_180 : vector<16xi32>
          %add3A_182 = vector.broadcast %sub3A_153 : i32 to vector<16xi32>
          %add3A_183 = arith.addi %mul3A_181, %add3A_182 : vector<16xi32>
          tpu.vector_store_idx %arg8[%add3A_183], %gather3A_178 : memref<8192xf32, #tpu.memory_space<vmem>>[vector<16xi32>], vector<16xf32>,
        } else {
        }
        %ge3A = arith.constant 7812 : i32
        %ge3A_166 = arith.cmpi sge, %shift_right_arithmetic3A_159, %ge3A : i32
        %convert_element_type3A_167 = arith.extui %ge3A_166 : i1 to i32
        %cond3A_168 = arith.constant 0 : i32
        %cond3A_169 = arith.cmpi ne, %convert_element_type3A_167, %cond3A_168 : i32
        scf.if %cond3A_169 {
          %mul3A_170 = arith.constant 64 : i32
          %mul3A_171 = vector.broadcast %mul3A_170 : i32 to vector<16xi32>
          %mul3A_172 = arith.muli %iota3A_160, %mul3A_171 : vector<16xi32>
          %sub3A_173 = arith.constant 999936 : i32
          %sub3A_174 = vector.broadcast %sub3A_173 : i32 to vector<16xi32>
          %sub3A_175 = arith.subi %broadcast_in_dim3A, %sub3A_174 : vector<16xi32>
          %add3A_176 = arith.addi %mul3A_172, %sub3A_175 : vector<16xi32>
          %gather3A_177 = tpu.vector_load_idx %arg9[%add3A_176] : memref<1024xf32, #tpu.memory_space<vmem>>[vector<16xi32>], vector<16xf32>,
          %mul3A_178 = arith.constant 512 : i32
          %mul3A_179 = vector.broadcast %mul3A_178 : i32 to vector<16xi32>
          %mul3A_180 = arith.muli %iota3A_160, %mul3A_179 : vector<16xi32>
          %add3A_181 = vector.broadcast %sub3A_153 : i32 to vector<16xi32>
          %add3A_182 = arith.addi %mul3A_180, %add3A_181 : vector<16xi32>
          tpu.vector_store_idx %arg8[%add3A_182], %gather3A_177 : memref<8192xf32, #tpu.memory_space<vmem>>[vector<16xi32>], vector<16xf32>,
        } else {
        }
      } else {
      }
      %lt3A = arith.constant 512 : i32
      %lt3A_42 = arith.cmpi slt, %add3A_39, %lt3A : i32
      %convert_element_type3A_43 = arith.extui %lt3A_42 : i1 to i32
      %cond3A_44 = arith.constant 0 : i32
      %cond3A_45 = arith.cmpi ne, %convert_element_type3A_43, %cond3A_44 : i32
      scf.if %cond3A_45 {
        %get3A = arith.index_cast %add3A_39 : i32 to index
        %get3A_144 = tpu.vector_load %arg6[%get3A] {strides = array<i32>} : memref<528xi32, #tpu.memory_space<vmem>>, vector<16xi32>,
        %slice3A = vector.extract_strided_slice %get3A_144 {offsets = [0], sizes = [1], strides = [1]} : vector<16xi32> to vector<1xi32>
        %squeeze3A = vector.extract %slice3A[0] : i32 from vector<1xi32>
        %shift_right_arithmetic3A = arith.constant 7 : i32
        %shift_right_arithmetic3A_145 = arith.shrsi %squeeze3A, %shift_right_arithmetic3A : i32
        %lt3A_146 = arith.constant 7812 : i32
        %lt3A_147 = arith.cmpi slt, %shift_right_arithmetic3A_145, %lt3A_146 : i32
        %convert_element_type3A_148 = arith.extui %lt3A_147 : i1 to i32
        %cond3A_149 = arith.constant 0 : i32
        %cond3A_150 = arith.cmpi ne, %convert_element_type3A_148, %cond3A_149 : i32
        scf.if %cond3A_150 {
          %mul3A_151 = arith.constant 128 : i32
          %mul3A_152 = arith.muli %shift_right_arithmetic3A_145, %mul3A_151 : i32
          %multiple_of3A = tpu.assume_multiple %mul3A_152, 128 : i32
          %dma_start3A_153 = arith.constant 0 : i32
          %dma_start3A_154 = arith.constant 0 : i32
          %dma_start3A_155 = arith.constant 0 : i32
          %dma_start3A_156 = tpu.memref_slice %arg7[%dma_start3A_153, %dma_start3A_154, %dma_start3A_155] : memref<8x16x128xf32, #tpu.memory_space<vmem>> -> memref<1x16x128xf32, #tpu.memory_space<vmem>>
          %dma_start3A_157 = tpu.memref_squeeze %dma_start3A_156 : memref<1x16x128xf32, #tpu.memory_space<vmem>> -> memref<16x128xf32, #tpu.memory_space<vmem>>
          %dma_start3A_158 = arith.constant 0 : i32
          %dma_start3A_159 = tpu.memref_slice %arg2[%dma_start3A_158, %multiple_of3A] : memref<16x1000000xf32, #tpu.memory_space<hbm>> -> memref<16x128xf32, #tpu.memory_space<hbm>>
          %dma_start3A_160 = arith.constant 0 : i32
          %dma_start3A_161 = arith.constant 0 : i32
          %dma_start3A_162 = tpu.memref_slice %arg7[%dma_start3A_153, %dma_start3A_160, %dma_start3A_161] : memref<8x16x128xf32, #tpu.memory_space<vmem>> -> memref<1x16x128xf32, #tpu.memory_space<vmem>>
          %dma_start3A_163 = tpu.memref_squeeze %dma_start3A_162 : memref<1x16x128xf32, #tpu.memory_space<vmem>> -> memref<16x128xf32, #tpu.memory_space<vmem>>
          %dma_start3A_164 = arith.constant 0 : i32
          %dma_start3A_165 = tpu.memref_slice %arg2[%dma_start3A_164, %multiple_of3A] : memref<16x1000000xf32, #tpu.memory_space<hbm>> -> memref<16x128xf32, #tpu.memory_space<hbm>>
          tpu.enqueue_dma source(%dma_start3A_165 : memref<16x128xf32, #tpu.memory_space<hbm>>) target(%dma_start3A_163 : memref<16x128xf32, #tpu.memory_space<vmem>>) target_semaphore(%arg11 : memref<!tpu.dma_semaphore, #tpu.memory_space<semaphore_mem>>)
        } else {
        }
      } else {
      }
      %mul3A_46 = arith.constant 8 : i32
      %mul3A_47 = arith.muli %scan3A_35, %mul3A_46 : i32
      %add3A_48 = arith.constant 1 : i32
      %add3A_49 = arith.addi %mul3A_47, %add3A_48 : i32
      %gt3A_50 = arith.constant 0 : i32
      %gt3A_51 = arith.cmpi sgt, %scan3A_35, %gt3A_50 : i32
      %convert_element_type3A_52 = arith.extui %gt3A_51 : i1 to i32
      %cond3A_53 = arith.constant 0 : i32
      %cond3A_54 = arith.cmpi ne, %convert_element_type3A_52, %cond3A_53 : i32
      scf.if %cond3A_54 {
        %sub3A = arith.constant 8 : i32
        %sub3A_144 = arith.subi %add3A_49, %sub3A : i32
        %get3A = arith.index_cast %sub3A_144 : i32 to index
        %get3A_145 = tpu.vector_load %arg6[%get3A] {strides = array<i32>} : memref<528xi32, #tpu.memory_space<vmem>>, vector<16xi32>,
        %slice3A = vector.extract_strided_slice %get3A_145 {offsets = [0], sizes = [1], strides = [1]} : vector<16xi32> to vector<1xi32>
        %squeeze3A = vector.extract %slice3A[0] : i32 from vector<1xi32>
        %shift_right_arithmetic3A = arith.constant 7 : i32
        %shift_right_arithmetic3A_146 = arith.shrsi %squeeze3A, %shift_right_arithmetic3A : i32
        %lt3A_147 = arith.constant 7812 : i32
        %lt3A_148 = arith.cmpi slt, %shift_right_arithmetic3A_146, %lt3A_147 : i32
        %convert_element_type3A_149 = arith.extui %lt3A_148 : i1 to i32
        %cond3A_150 = arith.constant 0 : i32
        %cond3A_151 = arith.cmpi ne, %convert_element_type3A_149, %cond3A_150 : i32
        scf.if %cond3A_151 {
          %dma_wait3A_170 = arith.constant 1 : i32
          %dma_wait3A_171 = arith.constant 0 : i32
          %dma_wait3A_172 = arith.constant 0 : i32
          %dma_wait3A_173 = tpu.memref_slice %arg7[%dma_wait3A_170, %dma_wait3A_171, %dma_wait3A_172] : memref<8x16x128xf32, #tpu.memory_space<vmem>> -> memref<1x16x128xf32, #tpu.memory_space<vmem>>
          %dma_wait3A_174 = tpu.memref_squeeze %dma_wait3A_173 : memref<1x16x128xf32, #tpu.memory_space<vmem>> -> memref<16x128xf32, #tpu.memory_space<vmem>>
          %dma_wait3A_175 = arith.constant 0 : i32
          %dma_wait3A_176 = arith.constant 0 : i32
          %dma_wait3A_177 = tpu.memref_slice %arg2[%dma_wait3A_175, %dma_wait3A_176] : memref<16x1000000xf32, #tpu.memory_space<hbm>> -> memref<16x128xf32, #tpu.memory_space<hbm>>
          %dma_wait3A_178 = arith.constant 0 : i32
          %dma_wait3A_179 = arith.constant 0 : i32
          %dma_wait3A_180 = tpu.memref_slice %arg7[%dma_wait3A_170, %dma_wait3A_178, %dma_wait3A_179] : memref<8x16x128xf32, #tpu.memory_space<vmem>> -> memref<1x16x128xf32, #tpu.memory_space<vmem>>
          %dma_wait3A_181 = tpu.memref_squeeze %dma_wait3A_180 : memref<1x16x128xf32, #tpu.memory_space<vmem>> -> memref<16x128xf32, #tpu.memory_space<vmem>>
          %dma_wait3A_182 = arith.constant 0 : i32
          %dma_wait3A_183 = arith.constant 0 : i32
          %dma_wait3A_184 = tpu.memref_slice %arg2[%dma_wait3A_182, %dma_wait3A_183] : memref<16x1000000xf32, #tpu.memory_space<hbm>> -> memref<16x128xf32, #tpu.memory_space<hbm>>
          tpu.wait_dma2 semaphore(%arg12 : memref<!tpu.dma_semaphore, #tpu.memory_space<semaphore_mem>>) src(%dma_wait3A_184 : memref<16x128xf32, #tpu.memory_space<hbm>>) dst(%dma_wait3A_181 : memref<16x128xf32, #tpu.memory_space<vmem>>)
        } else {
        }
        %sub3A_152 = arith.constant 8 : i32
        %sub3A_153 = arith.subi %add3A_49, %sub3A_152 : i32
        %get3A_154 = arith.index_cast %sub3A_153 : i32 to index
        %get3A_155 = tpu.vector_load %arg6[%get3A_154] {strides = array<i32>} : memref<528xi32, #tpu.memory_space<vmem>>, vector<16xi32>,
        %slice3A_156 = vector.extract_strided_slice %get3A_155 {offsets = [0], sizes = [1], strides = [1]} : vector<16xi32> to vector<1xi32>
        %squeeze3A_157 = vector.extract %slice3A_156[0] : i32 from vector<1xi32>
        %shift_right_arithmetic3A_158 = arith.constant 7 : i32
        %shift_right_arithmetic3A_159 = arith.shrsi %squeeze3A_157, %shift_right_arithmetic3A_158 : i32
        %broadcast_in_dim3A = vector.broadcast %squeeze3A_157 : i32 to vector<16xi32>
        %iota3A_160 = tpu.iota {dimensions = array<i32: 0>} : vector<16xi32>
        %lt3A_161 = arith.constant 7812 : i32
        %lt3A_162 = arith.cmpi slt, %shift_right_arithmetic3A_159, %lt3A_161 : i32
        %convert_element_type3A_163 = arith.extui %lt3A_162 : i1 to i32
        %cond3A_164 = arith.constant 0 : i32
        %cond3A_165 = arith.cmpi ne, %convert_element_type3A_163, %cond3A_164 : i32
        scf.if %cond3A_165 {
          %and3A_170 = arith.constant 127 : i32
          %and3A_171 = vector.broadcast %and3A_170 : i32 to vector<16xi32>
          %and3A_172 = arith.andi %broadcast_in_dim3A, %and3A_171 : vector<16xi32>
          %gather3A_173 = arith.constant 1 : i32
          %gather3A_174 = arith.constant 0 : i32
          %gather3A_175 = arith.constant 0 : i32
          %gather3A_176 = tpu.memref_slice %arg7[%gather3A_173, %gather3A_174, %gather3A_175] : memref<8x16x128xf32, #tpu.memory_space<vmem>> -> memref<1x16x128xf32, #tpu.memory_space<vmem>>
          %gather3A_177 = tpu.memref_squeeze %gather3A_176 : memref<1x16x128xf32, #tpu.memory_space<vmem>> -> memref<16x128xf32, #tpu.memory_space<vmem>>
          %gather3A_178 = tpu.vector_load_idx %gather3A_177[%iota3A_160, %and3A_172] : memref<16x128xf32, #tpu.memory_space<vmem>>[vector<16xi32>, vector<16xi32>], vector<16xf32>,
          %mul3A_179 = arith.constant 512 : i32
          %mul3A_180 = vector.broadcast %mul3A_179 : i32 to vector<16xi32>
          %mul3A_181 = arith.muli %iota3A_160, %mul3A_180 : vector<16xi32>
          %add3A_182 = vector.broadcast %sub3A_153 : i32 to vector<16xi32>
          %add3A_183 = arith.addi %mul3A_181, %add3A_182 : vector<16xi32>
          tpu.vector_store_idx %arg8[%add3A_183], %gather3A_178 : memref<8192xf32, #tpu.memory_space<vmem>>[vector<16xi32>], vector<16xf32>,
        } else {
        }
        %ge3A = arith.constant 7812 : i32
        %ge3A_166 = arith.cmpi sge, %shift_right_arithmetic3A_159, %ge3A : i32
        %convert_element_type3A_167 = arith.extui %ge3A_166 : i1 to i32
        %cond3A_168 = arith.constant 0 : i32
        %cond3A_169 = arith.cmpi ne, %convert_element_type3A_167, %cond3A_168 : i32
        scf.if %cond3A_169 {
          %mul3A_170 = arith.constant 64 : i32
          %mul3A_171 = vector.broadcast %mul3A_170 : i32 to vector<16xi32>
          %mul3A_172 = arith.muli %iota3A_160, %mul3A_171 : vector<16xi32>
          %sub3A_173 = arith.constant 999936 : i32
          %sub3A_174 = vector.broadcast %sub3A_173 : i32 to vector<16xi32>
          %sub3A_175 = arith.subi %broadcast_in_dim3A, %sub3A_174 : vector<16xi32>
          %add3A_176 = arith.addi %mul3A_172, %sub3A_175 : vector<16xi32>
          %gather3A_177 = tpu.vector_load_idx %arg9[%add3A_176] : memref<1024xf32, #tpu.memory_space<vmem>>[vector<16xi32>], vector<16xf32>,
          %mul3A_178 = arith.constant 512 : i32
          %mul3A_179 = vector.broadcast %mul3A_178 : i32 to vector<16xi32>
          %mul3A_180 = arith.muli %iota3A_160, %mul3A_179 : vector<16xi32>
          %add3A_181 = vector.broadcast %sub3A_153 : i32 to vector<16xi32>
          %add3A_182 = arith.addi %mul3A_180, %add3A_181 : vector<16xi32>
          tpu.vector_store_idx %arg8[%add3A_182], %gather3A_177 : memref<8192xf32, #tpu.memory_space<vmem>>[vector<16xi32>], vector<16xf32>,
        } else {
        }
      } else {
      }
      %lt3A_55 = arith.constant 512 : i32
      %lt3A_56 = arith.cmpi slt, %add3A_49, %lt3A_55 : i32
      %convert_element_type3A_57 = arith.extui %lt3A_56 : i1 to i32
      %cond3A_58 = arith.constant 0 : i32
      %cond3A_59 = arith.cmpi ne, %convert_element_type3A_57, %cond3A_58 : i32
      scf.if %cond3A_59 {
        %get3A = arith.index_cast %add3A_49 : i32 to index
        %get3A_144 = tpu.vector_load %arg6[%get3A] {strides = array<i32>} : memref<528xi32, #tpu.memory_space<vmem>>, vector<16xi32>,
        %slice3A = vector.extract_strided_slice %get3A_144 {offsets = [0], sizes = [1], strides = [1]} : vector<16xi32> to vector<1xi32>
        %squeeze3A = vector.extract %slice3A[0] : i32 from vector<1xi32>
        %shift_right_arithmetic3A = arith.constant 7 : i32
        %shift_right_arithmetic3A_145 = arith.shrsi %squeeze3A, %shift_right_arithmetic3A : i32
        %lt3A_146 = arith.constant 7812 : i32
        %lt3A_147 = arith.cmpi slt, %shift_right_arithmetic3A_145, %lt3A_146 : i32
        %convert_element_type3A_148 = arith.extui %lt3A_147 : i1 to i32
        %cond3A_149 = arith.constant 0 : i32
        %cond3A_150 = arith.cmpi ne, %convert_element_type3A_148, %cond3A_149 : i32
        scf.if %cond3A_150 {
          %mul3A_151 = arith.constant 128 : i32
          %mul3A_152 = arith.muli %shift_right_arithmetic3A_145, %mul3A_151 : i32
          %multiple_of3A = tpu.assume_multiple %mul3A_152, 128 : i32
          %dma_start3A_153 = arith.constant 1 : i32
          %dma_start3A_154 = arith.constant 0 : i32
          %dma_start3A_155 = arith.constant 0 : i32
          %dma_start3A_156 = tpu.memref_slice %arg7[%dma_start3A_153, %dma_start3A_154, %dma_start3A_155] : memref<8x16x128xf32, #tpu.memory_space<vmem>> -> memref<1x16x128xf32, #tpu.memory_space<vmem>>
          %dma_start3A_157 = tpu.memref_squeeze %dma_start3A_156 : memref<1x16x128xf32, #tpu.memory_space<vmem>> -> memref<16x128xf32, #tpu.memory_space<vmem>>
          %dma_start3A_158 = arith.constant 0 : i32
          %dma_start3A_159 = tpu.memref_slice %arg2[%dma_start3A_158, %multiple_of3A] : memref<16x1000000xf32, #tpu.memory_space<hbm>> -> memref<16x128xf32, #tpu.memory_space<hbm>>
          %dma_start3A_160 = arith.constant 0 : i32
          %dma_start3A_161 = arith.constant 0 : i32
          %dma_start3A_162 = tpu.memref_slice %arg7[%dma_start3A_153, %dma_start3A_160, %dma_start3A_161] : memref<8x16x128xf32, #tpu.memory_space<vmem>> -> memref<1x16x128xf32, #tpu.memory_space<vmem>>
          %dma_start3A_163 = tpu.memref_squeeze %dma_start3A_162 : memref<1x16x128xf32, #tpu.memory_space<vmem>> -> memref<16x128xf32, #tpu.memory_space<vmem>>
          %dma_start3A_164 = arith.constant 0 : i32
          %dma_start3A_165 = tpu.memref_slice %arg2[%dma_start3A_164, %multiple_of3A] : memref<16x1000000xf32, #tpu.memory_space<hbm>> -> memref<16x128xf32, #tpu.memory_space<hbm>>
          tpu.enqueue_dma source(%dma_start3A_165 : memref<16x128xf32, #tpu.memory_space<hbm>>) target(%dma_start3A_163 : memref<16x128xf32, #tpu.memory_space<vmem>>) target_semaphore(%arg12 : memref<!tpu.dma_semaphore, #tpu.memory_space<semaphore_mem>>)
        } else {
        }
      } else {
      }
      %mul3A_60 = arith.constant 8 : i32
      %mul3A_61 = arith.muli %scan3A_35, %mul3A_60 : i32
      %add3A_62 = arith.constant 2 : i32
      %add3A_63 = arith.addi %mul3A_61, %add3A_62 : i32
      %gt3A_64 = arith.constant 0 : i32
      %gt3A_65 = arith.cmpi sgt, %scan3A_35, %gt3A_64 : i32
      %convert_element_type3A_66 = arith.extui %gt3A_65 : i1 to i32
      %cond3A_67 = arith.constant 0 : i32
      %cond3A_68 = arith.cmpi ne, %convert_element_type3A_66, %cond3A_67 : i32
      scf.if %cond3A_68 {
        %sub3A = arith.constant 8 : i32
        %sub3A_144 = arith.subi %add3A_63, %sub3A : i32
        %get3A = arith.index_cast %sub3A_144 : i32 to index
        %get3A_145 = tpu.vector_load %arg6[%get3A] {strides = array<i32>} : memref<528xi32, #tpu.memory_space<vmem>>, vector<16xi32>,
        %slice3A = vector.extract_strided_slice %get3A_145 {offsets = [0], sizes = [1], strides = [1]} : vector<16xi32> to vector<1xi32>
        %squeeze3A = vector.extract %slice3A[0] : i32 from vector<1xi32>
        %shift_right_arithmetic3A = arith.constant 7 : i32
        %shift_right_arithmetic3A_146 = arith.shrsi %squeeze3A, %shift_right_arithmetic3A : i32
        %lt3A_147 = arith.constant 7812 : i32
        %lt3A_148 = arith.cmpi slt, %shift_right_arithmetic3A_146, %lt3A_147 : i32
        %convert_element_type3A_149 = arith.extui %lt3A_148 : i1 to i32
        %cond3A_150 = arith.constant 0 : i32
        %cond3A_151 = arith.cmpi ne, %convert_element_type3A_149, %cond3A_150 : i32
        scf.if %cond3A_151 {
          %dma_wait3A_170 = arith.constant 2 : i32
          %dma_wait3A_171 = arith.constant 0 : i32
          %dma_wait3A_172 = arith.constant 0 : i32
          %dma_wait3A_173 = tpu.memref_slice %arg7[%dma_wait3A_170, %dma_wait3A_171, %dma_wait3A_172] : memref<8x16x128xf32, #tpu.memory_space<vmem>> -> memref<1x16x128xf32, #tpu.memory_space<vmem>>
          %dma_wait3A_174 = tpu.memref_squeeze %dma_wait3A_173 : memref<1x16x128xf32, #tpu.memory_space<vmem>> -> memref<16x128xf32, #tpu.memory_space<vmem>>
          %dma_wait3A_175 = arith.constant 0 : i32
          %dma_wait3A_176 = arith.constant 0 : i32
          %dma_wait3A_177 = tpu.memref_slice %arg2[%dma_wait3A_175, %dma_wait3A_176] : memref<16x1000000xf32, #tpu.memory_space<hbm>> -> memref<16x128xf32, #tpu.memory_space<hbm>>
          %dma_wait3A_178 = arith.constant 0 : i32
          %dma_wait3A_179 = arith.constant 0 : i32
          %dma_wait3A_180 = tpu.memref_slice %arg7[%dma_wait3A_170, %dma_wait3A_178, %dma_wait3A_179] : memref<8x16x128xf32, #tpu.memory_space<vmem>> -> memref<1x16x128xf32, #tpu.memory_space<vmem>>
          %dma_wait3A_181 = tpu.memref_squeeze %dma_wait3A_180 : memref<1x16x128xf32, #tpu.memory_space<vmem>> -> memref<16x128xf32, #tpu.memory_space<vmem>>
          %dma_wait3A_182 = arith.constant 0 : i32
          %dma_wait3A_183 = arith.constant 0 : i32
          %dma_wait3A_184 = tpu.memref_slice %arg2[%dma_wait3A_182, %dma_wait3A_183] : memref<16x1000000xf32, #tpu.memory_space<hbm>> -> memref<16x128xf32, #tpu.memory_space<hbm>>
          tpu.wait_dma2 semaphore(%arg13 : memref<!tpu.dma_semaphore, #tpu.memory_space<semaphore_mem>>) src(%dma_wait3A_184 : memref<16x128xf32, #tpu.memory_space<hbm>>) dst(%dma_wait3A_181 : memref<16x128xf32, #tpu.memory_space<vmem>>)
        } else {
        }
        %sub3A_152 = arith.constant 8 : i32
        %sub3A_153 = arith.subi %add3A_63, %sub3A_152 : i32
        %get3A_154 = arith.index_cast %sub3A_153 : i32 to index
        %get3A_155 = tpu.vector_load %arg6[%get3A_154] {strides = array<i32>} : memref<528xi32, #tpu.memory_space<vmem>>, vector<16xi32>,
        %slice3A_156 = vector.extract_strided_slice %get3A_155 {offsets = [0], sizes = [1], strides = [1]} : vector<16xi32> to vector<1xi32>
        %squeeze3A_157 = vector.extract %slice3A_156[0] : i32 from vector<1xi32>
        %shift_right_arithmetic3A_158 = arith.constant 7 : i32
        %shift_right_arithmetic3A_159 = arith.shrsi %squeeze3A_157, %shift_right_arithmetic3A_158 : i32
        %broadcast_in_dim3A = vector.broadcast %squeeze3A_157 : i32 to vector<16xi32>
        %iota3A_160 = tpu.iota {dimensions = array<i32: 0>} : vector<16xi32>
        %lt3A_161 = arith.constant 7812 : i32
        %lt3A_162 = arith.cmpi slt, %shift_right_arithmetic3A_159, %lt3A_161 : i32
        %convert_element_type3A_163 = arith.extui %lt3A_162 : i1 to i32
        %cond3A_164 = arith.constant 0 : i32
        %cond3A_165 = arith.cmpi ne, %convert_element_type3A_163, %cond3A_164 : i32
        scf.if %cond3A_165 {
          %and3A_170 = arith.constant 127 : i32
          %and3A_171 = vector.broadcast %and3A_170 : i32 to vector<16xi32>
          %and3A_172 = arith.andi %broadcast_in_dim3A, %and3A_171 : vector<16xi32>
          %gather3A_173 = arith.constant 2 : i32
          %gather3A_174 = arith.constant 0 : i32
          %gather3A_175 = arith.constant 0 : i32
          %gather3A_176 = tpu.memref_slice %arg7[%gather3A_173, %gather3A_174, %gather3A_175] : memref<8x16x128xf32, #tpu.memory_space<vmem>> -> memref<1x16x128xf32, #tpu.memory_space<vmem>>
          %gather3A_177 = tpu.memref_squeeze %gather3A_176 : memref<1x16x128xf32, #tpu.memory_space<vmem>> -> memref<16x128xf32, #tpu.memory_space<vmem>>
          %gather3A_178 = tpu.vector_load_idx %gather3A_177[%iota3A_160, %and3A_172] : memref<16x128xf32, #tpu.memory_space<vmem>>[vector<16xi32>, vector<16xi32>], vector<16xf32>,
          %mul3A_179 = arith.constant 512 : i32
          %mul3A_180 = vector.broadcast %mul3A_179 : i32 to vector<16xi32>
          %mul3A_181 = arith.muli %iota3A_160, %mul3A_180 : vector<16xi32>
          %add3A_182 = vector.broadcast %sub3A_153 : i32 to vector<16xi32>
          %add3A_183 = arith.addi %mul3A_181, %add3A_182 : vector<16xi32>
          tpu.vector_store_idx %arg8[%add3A_183], %gather3A_178 : memref<8192xf32, #tpu.memory_space<vmem>>[vector<16xi32>], vector<16xf32>,
        } else {
        }
        %ge3A = arith.constant 7812 : i32
        %ge3A_166 = arith.cmpi sge, %shift_right_arithmetic3A_159, %ge3A : i32
        %convert_element_type3A_167 = arith.extui %ge3A_166 : i1 to i32
        %cond3A_168 = arith.constant 0 : i32
        %cond3A_169 = arith.cmpi ne, %convert_element_type3A_167, %cond3A_168 : i32
        scf.if %cond3A_169 {
          %mul3A_170 = arith.constant 64 : i32
          %mul3A_171 = vector.broadcast %mul3A_170 : i32 to vector<16xi32>
          %mul3A_172 = arith.muli %iota3A_160, %mul3A_171 : vector<16xi32>
          %sub3A_173 = arith.constant 999936 : i32
          %sub3A_174 = vector.broadcast %sub3A_173 : i32 to vector<16xi32>
          %sub3A_175 = arith.subi %broadcast_in_dim3A, %sub3A_174 : vector<16xi32>
          %add3A_176 = arith.addi %mul3A_172, %sub3A_175 : vector<16xi32>
          %gather3A_177 = tpu.vector_load_idx %arg9[%add3A_176] : memref<1024xf32, #tpu.memory_space<vmem>>[vector<16xi32>], vector<16xf32>,
          %mul3A_178 = arith.constant 512 : i32
          %mul3A_179 = vector.broadcast %mul3A_178 : i32 to vector<16xi32>
          %mul3A_180 = arith.muli %iota3A_160, %mul3A_179 : vector<16xi32>
          %add3A_181 = vector.broadcast %sub3A_153 : i32 to vector<16xi32>
          %add3A_182 = arith.addi %mul3A_180, %add3A_181 : vector<16xi32>
          tpu.vector_store_idx %arg8[%add3A_182], %gather3A_177 : memref<8192xf32, #tpu.memory_space<vmem>>[vector<16xi32>], vector<16xf32>,
        } else {
        }
      } else {
      }
      %lt3A_69 = arith.constant 512 : i32
      %lt3A_70 = arith.cmpi slt, %add3A_63, %lt3A_69 : i32
      %convert_element_type3A_71 = arith.extui %lt3A_70 : i1 to i32
      %cond3A_72 = arith.constant 0 : i32
      %cond3A_73 = arith.cmpi ne, %convert_element_type3A_71, %cond3A_72 : i32
      scf.if %cond3A_73 {
        %get3A = arith.index_cast %add3A_63 : i32 to index
        %get3A_144 = tpu.vector_load %arg6[%get3A] {strides = array<i32>} : memref<528xi32, #tpu.memory_space<vmem>>, vector<16xi32>,
        %slice3A = vector.extract_strided_slice %get3A_144 {offsets = [0], sizes = [1], strides = [1]} : vector<16xi32> to vector<1xi32>
        %squeeze3A = vector.extract %slice3A[0] : i32 from vector<1xi32>
        %shift_right_arithmetic3A = arith.constant 7 : i32
        %shift_right_arithmetic3A_145 = arith.shrsi %squeeze3A, %shift_right_arithmetic3A : i32
        %lt3A_146 = arith.constant 7812 : i32
        %lt3A_147 = arith.cmpi slt, %shift_right_arithmetic3A_145, %lt3A_146 : i32
        %convert_element_type3A_148 = arith.extui %lt3A_147 : i1 to i32
        %cond3A_149 = arith.constant 0 : i32
        %cond3A_150 = arith.cmpi ne, %convert_element_type3A_148, %cond3A_149 : i32
        scf.if %cond3A_150 {
          %mul3A_151 = arith.constant 128 : i32
          %mul3A_152 = arith.muli %shift_right_arithmetic3A_145, %mul3A_151 : i32
          %multiple_of3A = tpu.assume_multiple %mul3A_152, 128 : i32
          %dma_start3A_153 = arith.constant 2 : i32
          %dma_start3A_154 = arith.constant 0 : i32
          %dma_start3A_155 = arith.constant 0 : i32
          %dma_start3A_156 = tpu.memref_slice %arg7[%dma_start3A_153, %dma_start3A_154, %dma_start3A_155] : memref<8x16x128xf32, #tpu.memory_space<vmem>> -> memref<1x16x128xf32, #tpu.memory_space<vmem>>
          %dma_start3A_157 = tpu.memref_squeeze %dma_start3A_156 : memref<1x16x128xf32, #tpu.memory_space<vmem>> -> memref<16x128xf32, #tpu.memory_space<vmem>>
          %dma_start3A_158 = arith.constant 0 : i32
          %dma_start3A_159 = tpu.memref_slice %arg2[%dma_start3A_158, %multiple_of3A] : memref<16x1000000xf32, #tpu.memory_space<hbm>> -> memref<16x128xf32, #tpu.memory_space<hbm>>
          %dma_start3A_160 = arith.constant 0 : i32
          %dma_start3A_161 = arith.constant 0 : i32
          %dma_start3A_162 = tpu.memref_slice %arg7[%dma_start3A_153, %dma_start3A_160, %dma_start3A_161] : memref<8x16x128xf32, #tpu.memory_space<vmem>> -> memref<1x16x128xf32, #tpu.memory_space<vmem>>
          %dma_start3A_163 = tpu.memref_squeeze %dma_start3A_162 : memref<1x16x128xf32, #tpu.memory_space<vmem>> -> memref<16x128xf32, #tpu.memory_space<vmem>>
          %dma_start3A_164 = arith.constant 0 : i32
          %dma_start3A_165 = tpu.memref_slice %arg2[%dma_start3A_164, %multiple_of3A] : memref<16x1000000xf32, #tpu.memory_space<hbm>> -> memref<16x128xf32, #tpu.memory_space<hbm>>
          tpu.enqueue_dma source(%dma_start3A_165 : memref<16x128xf32, #tpu.memory_space<hbm>>) target(%dma_start3A_163 : memref<16x128xf32, #tpu.memory_space<vmem>>) target_semaphore(%arg13 : memref<!tpu.dma_semaphore, #tpu.memory_space<semaphore_mem>>)
        } else {
        }
      } else {
      }
      %mul3A_74 = arith.constant 8 : i32
      %mul3A_75 = arith.muli %scan3A_35, %mul3A_74 : i32
      %add3A_76 = arith.constant 3 : i32
      %add3A_77 = arith.addi %mul3A_75, %add3A_76 : i32
      %gt3A_78 = arith.constant 0 : i32
      %gt3A_79 = arith.cmpi sgt, %scan3A_35, %gt3A_78 : i32
      %convert_element_type3A_80 = arith.extui %gt3A_79 : i1 to i32
      %cond3A_81 = arith.constant 0 : i32
      %cond3A_82 = arith.cmpi ne, %convert_element_type3A_80, %cond3A_81 : i32
      scf.if %cond3A_82 {
        %sub3A = arith.constant 8 : i32
        %sub3A_144 = arith.subi %add3A_77, %sub3A : i32
        %get3A = arith.index_cast %sub3A_144 : i32 to index
        %get3A_145 = tpu.vector_load %arg6[%get3A] {strides = array<i32>} : memref<528xi32, #tpu.memory_space<vmem>>, vector<16xi32>,
        %slice3A = vector.extract_strided_slice %get3A_145 {offsets = [0], sizes = [1], strides = [1]} : vector<16xi32> to vector<1xi32>
        %squeeze3A = vector.extract %slice3A[0] : i32 from vector<1xi32>
        %shift_right_arithmetic3A = arith.constant 7 : i32
        %shift_right_arithmetic3A_146 = arith.shrsi %squeeze3A, %shift_right_arithmetic3A : i32
        %lt3A_147 = arith.constant 7812 : i32
        %lt3A_148 = arith.cmpi slt, %shift_right_arithmetic3A_146, %lt3A_147 : i32
        %convert_element_type3A_149 = arith.extui %lt3A_148 : i1 to i32
        %cond3A_150 = arith.constant 0 : i32
        %cond3A_151 = arith.cmpi ne, %convert_element_type3A_149, %cond3A_150 : i32
        scf.if %cond3A_151 {
          %dma_wait3A_170 = arith.constant 3 : i32
          %dma_wait3A_171 = arith.constant 0 : i32
          %dma_wait3A_172 = arith.constant 0 : i32
          %dma_wait3A_173 = tpu.memref_slice %arg7[%dma_wait3A_170, %dma_wait3A_171, %dma_wait3A_172] : memref<8x16x128xf32, #tpu.memory_space<vmem>> -> memref<1x16x128xf32, #tpu.memory_space<vmem>>
          %dma_wait3A_174 = tpu.memref_squeeze %dma_wait3A_173 : memref<1x16x128xf32, #tpu.memory_space<vmem>> -> memref<16x128xf32, #tpu.memory_space<vmem>>
          %dma_wait3A_175 = arith.constant 0 : i32
          %dma_wait3A_176 = arith.constant 0 : i32
          %dma_wait3A_177 = tpu.memref_slice %arg2[%dma_wait3A_175, %dma_wait3A_176] : memref<16x1000000xf32, #tpu.memory_space<hbm>> -> memref<16x128xf32, #tpu.memory_space<hbm>>
          %dma_wait3A_178 = arith.constant 0 : i32
          %dma_wait3A_179 = arith.constant 0 : i32
          %dma_wait3A_180 = tpu.memref_slice %arg7[%dma_wait3A_170, %dma_wait3A_178, %dma_wait3A_179] : memref<8x16x128xf32, #tpu.memory_space<vmem>> -> memref<1x16x128xf32, #tpu.memory_space<vmem>>
          %dma_wait3A_181 = tpu.memref_squeeze %dma_wait3A_180 : memref<1x16x128xf32, #tpu.memory_space<vmem>> -> memref<16x128xf32, #tpu.memory_space<vmem>>
          %dma_wait3A_182 = arith.constant 0 : i32
          %dma_wait3A_183 = arith.constant 0 : i32
          %dma_wait3A_184 = tpu.memref_slice %arg2[%dma_wait3A_182, %dma_wait3A_183] : memref<16x1000000xf32, #tpu.memory_space<hbm>> -> memref<16x128xf32, #tpu.memory_space<hbm>>
          tpu.wait_dma2 semaphore(%arg14 : memref<!tpu.dma_semaphore, #tpu.memory_space<semaphore_mem>>) src(%dma_wait3A_184 : memref<16x128xf32, #tpu.memory_space<hbm>>) dst(%dma_wait3A_181 : memref<16x128xf32, #tpu.memory_space<vmem>>)
        } else {
        }
        %sub3A_152 = arith.constant 8 : i32
        %sub3A_153 = arith.subi %add3A_77, %sub3A_152 : i32
        %get3A_154 = arith.index_cast %sub3A_153 : i32 to index
        %get3A_155 = tpu.vector_load %arg6[%get3A_154] {strides = array<i32>} : memref<528xi32, #tpu.memory_space<vmem>>, vector<16xi32>,
        %slice3A_156 = vector.extract_strided_slice %get3A_155 {offsets = [0], sizes = [1], strides = [1]} : vector<16xi32> to vector<1xi32>
        %squeeze3A_157 = vector.extract %slice3A_156[0] : i32 from vector<1xi32>
        %shift_right_arithmetic3A_158 = arith.constant 7 : i32
        %shift_right_arithmetic3A_159 = arith.shrsi %squeeze3A_157, %shift_right_arithmetic3A_158 : i32
        %broadcast_in_dim3A = vector.broadcast %squeeze3A_157 : i32 to vector<16xi32>
        %iota3A_160 = tpu.iota {dimensions = array<i32: 0>} : vector<16xi32>
        %lt3A_161 = arith.constant 7812 : i32
        %lt3A_162 = arith.cmpi slt, %shift_right_arithmetic3A_159, %lt3A_161 : i32
        %convert_element_type3A_163 = arith.extui %lt3A_162 : i1 to i32
        %cond3A_164 = arith.constant 0 : i32
        %cond3A_165 = arith.cmpi ne, %convert_element_type3A_163, %cond3A_164 : i32
        scf.if %cond3A_165 {
          %and3A_170 = arith.constant 127 : i32
          %and3A_171 = vector.broadcast %and3A_170 : i32 to vector<16xi32>
          %and3A_172 = arith.andi %broadcast_in_dim3A, %and3A_171 : vector<16xi32>
          %gather3A_173 = arith.constant 3 : i32
          %gather3A_174 = arith.constant 0 : i32
          %gather3A_175 = arith.constant 0 : i32
          %gather3A_176 = tpu.memref_slice %arg7[%gather3A_173, %gather3A_174, %gather3A_175] : memref<8x16x128xf32, #tpu.memory_space<vmem>> -> memref<1x16x128xf32, #tpu.memory_space<vmem>>
          %gather3A_177 = tpu.memref_squeeze %gather3A_176 : memref<1x16x128xf32, #tpu.memory_space<vmem>> -> memref<16x128xf32, #tpu.memory_space<vmem>>
          %gather3A_178 = tpu.vector_load_idx %gather3A_177[%iota3A_160, %and3A_172] : memref<16x128xf32, #tpu.memory_space<vmem>>[vector<16xi32>, vector<16xi32>], vector<16xf32>,
          %mul3A_179 = arith.constant 512 : i32
          %mul3A_180 = vector.broadcast %mul3A_179 : i32 to vector<16xi32>
          %mul3A_181 = arith.muli %iota3A_160, %mul3A_180 : vector<16xi32>
          %add3A_182 = vector.broadcast %sub3A_153 : i32 to vector<16xi32>
          %add3A_183 = arith.addi %mul3A_181, %add3A_182 : vector<16xi32>
          tpu.vector_store_idx %arg8[%add3A_183], %gather3A_178 : memref<8192xf32, #tpu.memory_space<vmem>>[vector<16xi32>], vector<16xf32>,
        } else {
        }
        %ge3A = arith.constant 7812 : i32
        %ge3A_166 = arith.cmpi sge, %shift_right_arithmetic3A_159, %ge3A : i32
        %convert_element_type3A_167 = arith.extui %ge3A_166 : i1 to i32
        %cond3A_168 = arith.constant 0 : i32
        %cond3A_169 = arith.cmpi ne, %convert_element_type3A_167, %cond3A_168 : i32
        scf.if %cond3A_169 {
          %mul3A_170 = arith.constant 64 : i32
          %mul3A_171 = vector.broadcast %mul3A_170 : i32 to vector<16xi32>
          %mul3A_172 = arith.muli %iota3A_160, %mul3A_171 : vector<16xi32>
          %sub3A_173 = arith.constant 999936 : i32
          %sub3A_174 = vector.broadcast %sub3A_173 : i32 to vector<16xi32>
          %sub3A_175 = arith.subi %broadcast_in_dim3A, %sub3A_174 : vector<16xi32>
          %add3A_176 = arith.addi %mul3A_172, %sub3A_175 : vector<16xi32>
          %gather3A_177 = tpu.vector_load_idx %arg9[%add3A_176] : memref<1024xf32, #tpu.memory_space<vmem>>[vector<16xi32>], vector<16xf32>,
          %mul3A_178 = arith.constant 512 : i32
          %mul3A_179 = vector.broadcast %mul3A_178 : i32 to vector<16xi32>
          %mul3A_180 = arith.muli %iota3A_160, %mul3A_179 : vector<16xi32>
          %add3A_181 = vector.broadcast %sub3A_153 : i32 to vector<16xi32>
          %add3A_182 = arith.addi %mul3A_180, %add3A_181 : vector<16xi32>
          tpu.vector_store_idx %arg8[%add3A_182], %gather3A_177 : memref<8192xf32, #tpu.memory_space<vmem>>[vector<16xi32>], vector<16xf32>,
        } else {
        }
      } else {
      }
      %lt3A_83 = arith.constant 512 : i32
      %lt3A_84 = arith.cmpi slt, %add3A_77, %lt3A_83 : i32
      %convert_element_type3A_85 = arith.extui %lt3A_84 : i1 to i32
      %cond3A_86 = arith.constant 0 : i32
      %cond3A_87 = arith.cmpi ne, %convert_element_type3A_85, %cond3A_86 : i32
      scf.if %cond3A_87 {
        %get3A = arith.index_cast %add3A_77 : i32 to index
        %get3A_144 = tpu.vector_load %arg6[%get3A] {strides = array<i32>} : memref<528xi32, #tpu.memory_space<vmem>>, vector<16xi32>,
        %slice3A = vector.extract_strided_slice %get3A_144 {offsets = [0], sizes = [1], strides = [1]} : vector<16xi32> to vector<1xi32>
        %squeeze3A = vector.extract %slice3A[0] : i32 from vector<1xi32>
        %shift_right_arithmetic3A = arith.constant 7 : i32
        %shift_right_arithmetic3A_145 = arith.shrsi %squeeze3A, %shift_right_arithmetic3A : i32
        %lt3A_146 = arith.constant 7812 : i32
        %lt3A_147 = arith.cmpi slt, %shift_right_arithmetic3A_145, %lt3A_146 : i32
        %convert_element_type3A_148 = arith.extui %lt3A_147 : i1 to i32
        %cond3A_149 = arith.constant 0 : i32
        %cond3A_150 = arith.cmpi ne, %convert_element_type3A_148, %cond3A_149 : i32
        scf.if %cond3A_150 {
          %mul3A_151 = arith.constant 128 : i32
          %mul3A_152 = arith.muli %shift_right_arithmetic3A_145, %mul3A_151 : i32
          %multiple_of3A = tpu.assume_multiple %mul3A_152, 128 : i32
          %dma_start3A_153 = arith.constant 3 : i32
          %dma_start3A_154 = arith.constant 0 : i32
          %dma_start3A_155 = arith.constant 0 : i32
          %dma_start3A_156 = tpu.memref_slice %arg7[%dma_start3A_153, %dma_start3A_154, %dma_start3A_155] : memref<8x16x128xf32, #tpu.memory_space<vmem>> -> memref<1x16x128xf32, #tpu.memory_space<vmem>>
          %dma_start3A_157 = tpu.memref_squeeze %dma_start3A_156 : memref<1x16x128xf32, #tpu.memory_space<vmem>> -> memref<16x128xf32, #tpu.memory_space<vmem>>
          %dma_start3A_158 = arith.constant 0 : i32
          %dma_start3A_159 = tpu.memref_slice %arg2[%dma_start3A_158, %multiple_of3A] : memref<16x1000000xf32, #tpu.memory_space<hbm>> -> memref<16x128xf32, #tpu.memory_space<hbm>>
          %dma_start3A_160 = arith.constant 0 : i32
          %dma_start3A_161 = arith.constant 0 : i32
          %dma_start3A_162 = tpu.memref_slice %arg7[%dma_start3A_153, %dma_start3A_160, %dma_start3A_161] : memref<8x16x128xf32, #tpu.memory_space<vmem>> -> memref<1x16x128xf32, #tpu.memory_space<vmem>>
          %dma_start3A_163 = tpu.memref_squeeze %dma_start3A_162 : memref<1x16x128xf32, #tpu.memory_space<vmem>> -> memref<16x128xf32, #tpu.memory_space<vmem>>
          %dma_start3A_164 = arith.constant 0 : i32
          %dma_start3A_165 = tpu.memref_slice %arg2[%dma_start3A_164, %multiple_of3A] : memref<16x1000000xf32, #tpu.memory_space<hbm>> -> memref<16x128xf32, #tpu.memory_space<hbm>>
          tpu.enqueue_dma source(%dma_start3A_165 : memref<16x128xf32, #tpu.memory_space<hbm>>) target(%dma_start3A_163 : memref<16x128xf32, #tpu.memory_space<vmem>>) target_semaphore(%arg14 : memref<!tpu.dma_semaphore, #tpu.memory_space<semaphore_mem>>)
        } else {
        }
      } else {
      }
      %mul3A_88 = arith.constant 8 : i32
      %mul3A_89 = arith.muli %scan3A_35, %mul3A_88 : i32
      %add3A_90 = arith.constant 4 : i32
      %add3A_91 = arith.addi %mul3A_89, %add3A_90 : i32
      %gt3A_92 = arith.constant 0 : i32
      %gt3A_93 = arith.cmpi sgt, %scan3A_35, %gt3A_92 : i32
      %convert_element_type3A_94 = arith.extui %gt3A_93 : i1 to i32
      %cond3A_95 = arith.constant 0 : i32
      %cond3A_96 = arith.cmpi ne, %convert_element_type3A_94, %cond3A_95 : i32
      scf.if %cond3A_96 {
        %sub3A = arith.constant 8 : i32
        %sub3A_144 = arith.subi %add3A_91, %sub3A : i32
        %get3A = arith.index_cast %sub3A_144 : i32 to index
        %get3A_145 = tpu.vector_load %arg6[%get3A] {strides = array<i32>} : memref<528xi32, #tpu.memory_space<vmem>>, vector<16xi32>,
        %slice3A = vector.extract_strided_slice %get3A_145 {offsets = [0], sizes = [1], strides = [1]} : vector<16xi32> to vector<1xi32>
        %squeeze3A = vector.extract %slice3A[0] : i32 from vector<1xi32>
        %shift_right_arithmetic3A = arith.constant 7 : i32
        %shift_right_arithmetic3A_146 = arith.shrsi %squeeze3A, %shift_right_arithmetic3A : i32
        %lt3A_147 = arith.constant 7812 : i32
        %lt3A_148 = arith.cmpi slt, %shift_right_arithmetic3A_146, %lt3A_147 : i32
        %convert_element_type3A_149 = arith.extui %lt3A_148 : i1 to i32
        %cond3A_150 = arith.constant 0 : i32
        %cond3A_151 = arith.cmpi ne, %convert_element_type3A_149, %cond3A_150 : i32
        scf.if %cond3A_151 {
          %dma_wait3A_170 = arith.constant 4 : i32
          %dma_wait3A_171 = arith.constant 0 : i32
          %dma_wait3A_172 = arith.constant 0 : i32
          %dma_wait3A_173 = tpu.memref_slice %arg7[%dma_wait3A_170, %dma_wait3A_171, %dma_wait3A_172] : memref<8x16x128xf32, #tpu.memory_space<vmem>> -> memref<1x16x128xf32, #tpu.memory_space<vmem>>
          %dma_wait3A_174 = tpu.memref_squeeze %dma_wait3A_173 : memref<1x16x128xf32, #tpu.memory_space<vmem>> -> memref<16x128xf32, #tpu.memory_space<vmem>>
          %dma_wait3A_175 = arith.constant 0 : i32
          %dma_wait3A_176 = arith.constant 0 : i32
          %dma_wait3A_177 = tpu.memref_slice %arg2[%dma_wait3A_175, %dma_wait3A_176] : memref<16x1000000xf32, #tpu.memory_space<hbm>> -> memref<16x128xf32, #tpu.memory_space<hbm>>
          %dma_wait3A_178 = arith.constant 0 : i32
          %dma_wait3A_179 = arith.constant 0 : i32
          %dma_wait3A_180 = tpu.memref_slice %arg7[%dma_wait3A_170, %dma_wait3A_178, %dma_wait3A_179] : memref<8x16x128xf32, #tpu.memory_space<vmem>> -> memref<1x16x128xf32, #tpu.memory_space<vmem>>
          %dma_wait3A_181 = tpu.memref_squeeze %dma_wait3A_180 : memref<1x16x128xf32, #tpu.memory_space<vmem>> -> memref<16x128xf32, #tpu.memory_space<vmem>>
          %dma_wait3A_182 = arith.constant 0 : i32
          %dma_wait3A_183 = arith.constant 0 : i32
          %dma_wait3A_184 = tpu.memref_slice %arg2[%dma_wait3A_182, %dma_wait3A_183] : memref<16x1000000xf32, #tpu.memory_space<hbm>> -> memref<16x128xf32, #tpu.memory_space<hbm>>
          tpu.wait_dma2 semaphore(%arg15 : memref<!tpu.dma_semaphore, #tpu.memory_space<semaphore_mem>>) src(%dma_wait3A_184 : memref<16x128xf32, #tpu.memory_space<hbm>>) dst(%dma_wait3A_181 : memref<16x128xf32, #tpu.memory_space<vmem>>)
        } else {
        }
        %sub3A_152 = arith.constant 8 : i32
        %sub3A_153 = arith.subi %add3A_91, %sub3A_152 : i32
        %get3A_154 = arith.index_cast %sub3A_153 : i32 to index
        %get3A_155 = tpu.vector_load %arg6[%get3A_154] {strides = array<i32>} : memref<528xi32, #tpu.memory_space<vmem>>, vector<16xi32>,
        %slice3A_156 = vector.extract_strided_slice %get3A_155 {offsets = [0], sizes = [1], strides = [1]} : vector<16xi32> to vector<1xi32>
        %squeeze3A_157 = vector.extract %slice3A_156[0] : i32 from vector<1xi32>
        %shift_right_arithmetic3A_158 = arith.constant 7 : i32
        %shift_right_arithmetic3A_159 = arith.shrsi %squeeze3A_157, %shift_right_arithmetic3A_158 : i32
        %broadcast_in_dim3A = vector.broadcast %squeeze3A_157 : i32 to vector<16xi32>
        %iota3A_160 = tpu.iota {dimensions = array<i32: 0>} : vector<16xi32>
        %lt3A_161 = arith.constant 7812 : i32
        %lt3A_162 = arith.cmpi slt, %shift_right_arithmetic3A_159, %lt3A_161 : i32
        %convert_element_type3A_163 = arith.extui %lt3A_162 : i1 to i32
        %cond3A_164 = arith.constant 0 : i32
        %cond3A_165 = arith.cmpi ne, %convert_element_type3A_163, %cond3A_164 : i32
        scf.if %cond3A_165 {
          %and3A_170 = arith.constant 127 : i32
          %and3A_171 = vector.broadcast %and3A_170 : i32 to vector<16xi32>
          %and3A_172 = arith.andi %broadcast_in_dim3A, %and3A_171 : vector<16xi32>
          %gather3A_173 = arith.constant 4 : i32
          %gather3A_174 = arith.constant 0 : i32
          %gather3A_175 = arith.constant 0 : i32
          %gather3A_176 = tpu.memref_slice %arg7[%gather3A_173, %gather3A_174, %gather3A_175] : memref<8x16x128xf32, #tpu.memory_space<vmem>> -> memref<1x16x128xf32, #tpu.memory_space<vmem>>
          %gather3A_177 = tpu.memref_squeeze %gather3A_176 : memref<1x16x128xf32, #tpu.memory_space<vmem>> -> memref<16x128xf32, #tpu.memory_space<vmem>>
          %gather3A_178 = tpu.vector_load_idx %gather3A_177[%iota3A_160, %and3A_172] : memref<16x128xf32, #tpu.memory_space<vmem>>[vector<16xi32>, vector<16xi32>], vector<16xf32>,
          %mul3A_179 = arith.constant 512 : i32
          %mul3A_180 = vector.broadcast %mul3A_179 : i32 to vector<16xi32>
          %mul3A_181 = arith.muli %iota3A_160, %mul3A_180 : vector<16xi32>
          %add3A_182 = vector.broadcast %sub3A_153 : i32 to vector<16xi32>
          %add3A_183 = arith.addi %mul3A_181, %add3A_182 : vector<16xi32>
          tpu.vector_store_idx %arg8[%add3A_183], %gather3A_178 : memref<8192xf32, #tpu.memory_space<vmem>>[vector<16xi32>], vector<16xf32>,
        } else {
        }
        %ge3A = arith.constant 7812 : i32
        %ge3A_166 = arith.cmpi sge, %shift_right_arithmetic3A_159, %ge3A : i32
        %convert_element_type3A_167 = arith.extui %ge3A_166 : i1 to i32
        %cond3A_168 = arith.constant 0 : i32
        %cond3A_169 = arith.cmpi ne, %convert_element_type3A_167, %cond3A_168 : i32
        scf.if %cond3A_169 {
          %mul3A_170 = arith.constant 64 : i32
          %mul3A_171 = vector.broadcast %mul3A_170 : i32 to vector<16xi32>
          %mul3A_172 = arith.muli %iota3A_160, %mul3A_171 : vector<16xi32>
          %sub3A_173 = arith.constant 999936 : i32
          %sub3A_174 = vector.broadcast %sub3A_173 : i32 to vector<16xi32>
          %sub3A_175 = arith.subi %broadcast_in_dim3A, %sub3A_174 : vector<16xi32>
          %add3A_176 = arith.addi %mul3A_172, %sub3A_175 : vector<16xi32>
          %gather3A_177 = tpu.vector_load_idx %arg9[%add3A_176] : memref<1024xf32, #tpu.memory_space<vmem>>[vector<16xi32>], vector<16xf32>,
          %mul3A_178 = arith.constant 512 : i32
          %mul3A_179 = vector.broadcast %mul3A_178 : i32 to vector<16xi32>
          %mul3A_180 = arith.muli %iota3A_160, %mul3A_179 : vector<16xi32>
          %add3A_181 = vector.broadcast %sub3A_153 : i32 to vector<16xi32>
          %add3A_182 = arith.addi %mul3A_180, %add3A_181 : vector<16xi32>
          tpu.vector_store_idx %arg8[%add3A_182], %gather3A_177 : memref<8192xf32, #tpu.memory_space<vmem>>[vector<16xi32>], vector<16xf32>,
        } else {
        }
      } else {
      }
      %lt3A_97 = arith.constant 512 : i32
      %lt3A_98 = arith.cmpi slt, %add3A_91, %lt3A_97 : i32
      %convert_element_type3A_99 = arith.extui %lt3A_98 : i1 to i32
      %cond3A_100 = arith.constant 0 : i32
      %cond3A_101 = arith.cmpi ne, %convert_element_type3A_99, %cond3A_100 : i32
      scf.if %cond3A_101 {
        %get3A = arith.index_cast %add3A_91 : i32 to index
        %get3A_144 = tpu.vector_load %arg6[%get3A] {strides = array<i32>} : memref<528xi32, #tpu.memory_space<vmem>>, vector<16xi32>,
        %slice3A = vector.extract_strided_slice %get3A_144 {offsets = [0], sizes = [1], strides = [1]} : vector<16xi32> to vector<1xi32>
        %squeeze3A = vector.extract %slice3A[0] : i32 from vector<1xi32>
        %shift_right_arithmetic3A = arith.constant 7 : i32
        %shift_right_arithmetic3A_145 = arith.shrsi %squeeze3A, %shift_right_arithmetic3A : i32
        %lt3A_146 = arith.constant 7812 : i32
        %lt3A_147 = arith.cmpi slt, %shift_right_arithmetic3A_145, %lt3A_146 : i32
        %convert_element_type3A_148 = arith.extui %lt3A_147 : i1 to i32
        %cond3A_149 = arith.constant 0 : i32
        %cond3A_150 = arith.cmpi ne, %convert_element_type3A_148, %cond3A_149 : i32
        scf.if %cond3A_150 {
          %mul3A_151 = arith.constant 128 : i32
          %mul3A_152 = arith.muli %shift_right_arithmetic3A_145, %mul3A_151 : i32
          %multiple_of3A = tpu.assume_multiple %mul3A_152, 128 : i32
          %dma_start3A_153 = arith.constant 4 : i32
          %dma_start3A_154 = arith.constant 0 : i32
          %dma_start3A_155 = arith.constant 0 : i32
          %dma_start3A_156 = tpu.memref_slice %arg7[%dma_start3A_153, %dma_start3A_154, %dma_start3A_155] : memref<8x16x128xf32, #tpu.memory_space<vmem>> -> memref<1x16x128xf32, #tpu.memory_space<vmem>>
          %dma_start3A_157 = tpu.memref_squeeze %dma_start3A_156 : memref<1x16x128xf32, #tpu.memory_space<vmem>> -> memref<16x128xf32, #tpu.memory_space<vmem>>
          %dma_start3A_158 = arith.constant 0 : i32
          %dma_start3A_159 = tpu.memref_slice %arg2[%dma_start3A_158, %multiple_of3A] : memref<16x1000000xf32, #tpu.memory_space<hbm>> -> memref<16x128xf32, #tpu.memory_space<hbm>>
          %dma_start3A_160 = arith.constant 0 : i32
          %dma_start3A_161 = arith.constant 0 : i32
          %dma_start3A_162 = tpu.memref_slice %arg7[%dma_start3A_153, %dma_start3A_160, %dma_start3A_161] : memref<8x16x128xf32, #tpu.memory_space<vmem>> -> memref<1x16x128xf32, #tpu.memory_space<vmem>>
          %dma_start3A_163 = tpu.memref_squeeze %dma_start3A_162 : memref<1x16x128xf32, #tpu.memory_space<vmem>> -> memref<16x128xf32, #tpu.memory_space<vmem>>
          %dma_start3A_164 = arith.constant 0 : i32
          %dma_start3A_165 = tpu.memref_slice %arg2[%dma_start3A_164, %multiple_of3A] : memref<16x1000000xf32, #tpu.memory_space<hbm>> -> memref<16x128xf32, #tpu.memory_space<hbm>>
          tpu.enqueue_dma source(%dma_start3A_165 : memref<16x128xf32, #tpu.memory_space<hbm>>) target(%dma_start3A_163 : memref<16x128xf32, #tpu.memory_space<vmem>>) target_semaphore(%arg15 : memref<!tpu.dma_semaphore, #tpu.memory_space<semaphore_mem>>)
        } else {
        }
      } else {
      }
      %mul3A_102 = arith.constant 8 : i32
      %mul3A_103 = arith.muli %scan3A_35, %mul3A_102 : i32
      %add3A_104 = arith.constant 5 : i32
      %add3A_105 = arith.addi %mul3A_103, %add3A_104 : i32
      %gt3A_106 = arith.constant 0 : i32
      %gt3A_107 = arith.cmpi sgt, %scan3A_35, %gt3A_106 : i32
      %convert_element_type3A_108 = arith.extui %gt3A_107 : i1 to i32
      %cond3A_109 = arith.constant 0 : i32
      %cond3A_110 = arith.cmpi ne, %convert_element_type3A_108, %cond3A_109 : i32
      scf.if %cond3A_110 {
        %sub3A = arith.constant 8 : i32
        %sub3A_144 = arith.subi %add3A_105, %sub3A : i32
        %get3A = arith.index_cast %sub3A_144 : i32 to index
        %get3A_145 = tpu.vector_load %arg6[%get3A] {strides = array<i32>} : memref<528xi32, #tpu.memory_space<vmem>>, vector<16xi32>,
        %slice3A = vector.extract_strided_slice %get3A_145 {offsets = [0], sizes = [1], strides = [1]} : vector<16xi32> to vector<1xi32>
        %squeeze3A = vector.extract %slice3A[0] : i32 from vector<1xi32>
        %shift_right_arithmetic3A = arith.constant 7 : i32
        %shift_right_arithmetic3A_146 = arith.shrsi %squeeze3A, %shift_right_arithmetic3A : i32
        %lt3A_147 = arith.constant 7812 : i32
        %lt3A_148 = arith.cmpi slt, %shift_right_arithmetic3A_146, %lt3A_147 : i32
        %convert_element_type3A_149 = arith.extui %lt3A_148 : i1 to i32
        %cond3A_150 = arith.constant 0 : i32
        %cond3A_151 = arith.cmpi ne, %convert_element_type3A_149, %cond3A_150 : i32
        scf.if %cond3A_151 {
          %dma_wait3A_170 = arith.constant 5 : i32
          %dma_wait3A_171 = arith.constant 0 : i32
          %dma_wait3A_172 = arith.constant 0 : i32
          %dma_wait3A_173 = tpu.memref_slice %arg7[%dma_wait3A_170, %dma_wait3A_171, %dma_wait3A_172] : memref<8x16x128xf32, #tpu.memory_space<vmem>> -> memref<1x16x128xf32, #tpu.memory_space<vmem>>
          %dma_wait3A_174 = tpu.memref_squeeze %dma_wait3A_173 : memref<1x16x128xf32, #tpu.memory_space<vmem>> -> memref<16x128xf32, #tpu.memory_space<vmem>>
          %dma_wait3A_175 = arith.constant 0 : i32
          %dma_wait3A_176 = arith.constant 0 : i32
          %dma_wait3A_177 = tpu.memref_slice %arg2[%dma_wait3A_175, %dma_wait3A_176] : memref<16x1000000xf32, #tpu.memory_space<hbm>> -> memref<16x128xf32, #tpu.memory_space<hbm>>
          %dma_wait3A_178 = arith.constant 0 : i32
          %dma_wait3A_179 = arith.constant 0 : i32
          %dma_wait3A_180 = tpu.memref_slice %arg7[%dma_wait3A_170, %dma_wait3A_178, %dma_wait3A_179] : memref<8x16x128xf32, #tpu.memory_space<vmem>> -> memref<1x16x128xf32, #tpu.memory_space<vmem>>
          %dma_wait3A_181 = tpu.memref_squeeze %dma_wait3A_180 : memref<1x16x128xf32, #tpu.memory_space<vmem>> -> memref<16x128xf32, #tpu.memory_space<vmem>>
          %dma_wait3A_182 = arith.constant 0 : i32
          %dma_wait3A_183 = arith.constant 0 : i32
          %dma_wait3A_184 = tpu.memref_slice %arg2[%dma_wait3A_182, %dma_wait3A_183] : memref<16x1000000xf32, #tpu.memory_space<hbm>> -> memref<16x128xf32, #tpu.memory_space<hbm>>
          tpu.wait_dma2 semaphore(%arg16 : memref<!tpu.dma_semaphore, #tpu.memory_space<semaphore_mem>>) src(%dma_wait3A_184 : memref<16x128xf32, #tpu.memory_space<hbm>>) dst(%dma_wait3A_181 : memref<16x128xf32, #tpu.memory_space<vmem>>)
        } else {
        }
        %sub3A_152 = arith.constant 8 : i32
        %sub3A_153 = arith.subi %add3A_105, %sub3A_152 : i32
        %get3A_154 = arith.index_cast %sub3A_153 : i32 to index
        %get3A_155 = tpu.vector_load %arg6[%get3A_154] {strides = array<i32>} : memref<528xi32, #tpu.memory_space<vmem>>, vector<16xi32>,
        %slice3A_156 = vector.extract_strided_slice %get3A_155 {offsets = [0], sizes = [1], strides = [1]} : vector<16xi32> to vector<1xi32>
        %squeeze3A_157 = vector.extract %slice3A_156[0] : i32 from vector<1xi32>
        %shift_right_arithmetic3A_158 = arith.constant 7 : i32
        %shift_right_arithmetic3A_159 = arith.shrsi %squeeze3A_157, %shift_right_arithmetic3A_158 : i32
        %broadcast_in_dim3A = vector.broadcast %squeeze3A_157 : i32 to vector<16xi32>
        %iota3A_160 = tpu.iota {dimensions = array<i32: 0>} : vector<16xi32>
        %lt3A_161 = arith.constant 7812 : i32
        %lt3A_162 = arith.cmpi slt, %shift_right_arithmetic3A_159, %lt3A_161 : i32
        %convert_element_type3A_163 = arith.extui %lt3A_162 : i1 to i32
        %cond3A_164 = arith.constant 0 : i32
        %cond3A_165 = arith.cmpi ne, %convert_element_type3A_163, %cond3A_164 : i32
        scf.if %cond3A_165 {
          %and3A_170 = arith.constant 127 : i32
          %and3A_171 = vector.broadcast %and3A_170 : i32 to vector<16xi32>
          %and3A_172 = arith.andi %broadcast_in_dim3A, %and3A_171 : vector<16xi32>
          %gather3A_173 = arith.constant 5 : i32
          %gather3A_174 = arith.constant 0 : i32
          %gather3A_175 = arith.constant 0 : i32
          %gather3A_176 = tpu.memref_slice %arg7[%gather3A_173, %gather3A_174, %gather3A_175] : memref<8x16x128xf32, #tpu.memory_space<vmem>> -> memref<1x16x128xf32, #tpu.memory_space<vmem>>
          %gather3A_177 = tpu.memref_squeeze %gather3A_176 : memref<1x16x128xf32, #tpu.memory_space<vmem>> -> memref<16x128xf32, #tpu.memory_space<vmem>>
          %gather3A_178 = tpu.vector_load_idx %gather3A_177[%iota3A_160, %and3A_172] : memref<16x128xf32, #tpu.memory_space<vmem>>[vector<16xi32>, vector<16xi32>], vector<16xf32>,
          %mul3A_179 = arith.constant 512 : i32
          %mul3A_180 = vector.broadcast %mul3A_179 : i32 to vector<16xi32>
          %mul3A_181 = arith.muli %iota3A_160, %mul3A_180 : vector<16xi32>
          %add3A_182 = vector.broadcast %sub3A_153 : i32 to vector<16xi32>
          %add3A_183 = arith.addi %mul3A_181, %add3A_182 : vector<16xi32>
          tpu.vector_store_idx %arg8[%add3A_183], %gather3A_178 : memref<8192xf32, #tpu.memory_space<vmem>>[vector<16xi32>], vector<16xf32>,
        } else {
        }
        %ge3A = arith.constant 7812 : i32
        %ge3A_166 = arith.cmpi sge, %shift_right_arithmetic3A_159, %ge3A : i32
        %convert_element_type3A_167 = arith.extui %ge3A_166 : i1 to i32
        %cond3A_168 = arith.constant 0 : i32
        %cond3A_169 = arith.cmpi ne, %convert_element_type3A_167, %cond3A_168 : i32
        scf.if %cond3A_169 {
          %mul3A_170 = arith.constant 64 : i32
          %mul3A_171 = vector.broadcast %mul3A_170 : i32 to vector<16xi32>
          %mul3A_172 = arith.muli %iota3A_160, %mul3A_171 : vector<16xi32>
          %sub3A_173 = arith.constant 999936 : i32
          %sub3A_174 = vector.broadcast %sub3A_173 : i32 to vector<16xi32>
          %sub3A_175 = arith.subi %broadcast_in_dim3A, %sub3A_174 : vector<16xi32>
          %add3A_176 = arith.addi %mul3A_172, %sub3A_175 : vector<16xi32>
          %gather3A_177 = tpu.vector_load_idx %arg9[%add3A_176] : memref<1024xf32, #tpu.memory_space<vmem>>[vector<16xi32>], vector<16xf32>,
          %mul3A_178 = arith.constant 512 : i32
          %mul3A_179 = vector.broadcast %mul3A_178 : i32 to vector<16xi32>
          %mul3A_180 = arith.muli %iota3A_160, %mul3A_179 : vector<16xi32>
          %add3A_181 = vector.broadcast %sub3A_153 : i32 to vector<16xi32>
          %add3A_182 = arith.addi %mul3A_180, %add3A_181 : vector<16xi32>
          tpu.vector_store_idx %arg8[%add3A_182], %gather3A_177 : memref<8192xf32, #tpu.memory_space<vmem>>[vector<16xi32>], vector<16xf32>,
        } else {
        }
      } else {
      }
      %lt3A_111 = arith.constant 512 : i32
      %lt3A_112 = arith.cmpi slt, %add3A_105, %lt3A_111 : i32
      %convert_element_type3A_113 = arith.extui %lt3A_112 : i1 to i32
      %cond3A_114 = arith.constant 0 : i32
      %cond3A_115 = arith.cmpi ne, %convert_element_type3A_113, %cond3A_114 : i32
      scf.if %cond3A_115 {
        %get3A = arith.index_cast %add3A_105 : i32 to index
        %get3A_144 = tpu.vector_load %arg6[%get3A] {strides = array<i32>} : memref<528xi32, #tpu.memory_space<vmem>>, vector<16xi32>,
        %slice3A = vector.extract_strided_slice %get3A_144 {offsets = [0], sizes = [1], strides = [1]} : vector<16xi32> to vector<1xi32>
        %squeeze3A = vector.extract %slice3A[0] : i32 from vector<1xi32>
        %shift_right_arithmetic3A = arith.constant 7 : i32
        %shift_right_arithmetic3A_145 = arith.shrsi %squeeze3A, %shift_right_arithmetic3A : i32
        %lt3A_146 = arith.constant 7812 : i32
        %lt3A_147 = arith.cmpi slt, %shift_right_arithmetic3A_145, %lt3A_146 : i32
        %convert_element_type3A_148 = arith.extui %lt3A_147 : i1 to i32
        %cond3A_149 = arith.constant 0 : i32
        %cond3A_150 = arith.cmpi ne, %convert_element_type3A_148, %cond3A_149 : i32
        scf.if %cond3A_150 {
          %mul3A_151 = arith.constant 128 : i32
          %mul3A_152 = arith.muli %shift_right_arithmetic3A_145, %mul3A_151 : i32
          %multiple_of3A = tpu.assume_multiple %mul3A_152, 128 : i32
          %dma_start3A_153 = arith.constant 5 : i32
          %dma_start3A_154 = arith.constant 0 : i32
          %dma_start3A_155 = arith.constant 0 : i32
          %dma_start3A_156 = tpu.memref_slice %arg7[%dma_start3A_153, %dma_start3A_154, %dma_start3A_155] : memref<8x16x128xf32, #tpu.memory_space<vmem>> -> memref<1x16x128xf32, #tpu.memory_space<vmem>>
          %dma_start3A_157 = tpu.memref_squeeze %dma_start3A_156 : memref<1x16x128xf32, #tpu.memory_space<vmem>> -> memref<16x128xf32, #tpu.memory_space<vmem>>
          %dma_start3A_158 = arith.constant 0 : i32
          %dma_start3A_159 = tpu.memref_slice %arg2[%dma_start3A_158, %multiple_of3A] : memref<16x1000000xf32, #tpu.memory_space<hbm>> -> memref<16x128xf32, #tpu.memory_space<hbm>>
          %dma_start3A_160 = arith.constant 0 : i32
          %dma_start3A_161 = arith.constant 0 : i32
          %dma_start3A_162 = tpu.memref_slice %arg7[%dma_start3A_153, %dma_start3A_160, %dma_start3A_161] : memref<8x16x128xf32, #tpu.memory_space<vmem>> -> memref<1x16x128xf32, #tpu.memory_space<vmem>>
          %dma_start3A_163 = tpu.memref_squeeze %dma_start3A_162 : memref<1x16x128xf32, #tpu.memory_space<vmem>> -> memref<16x128xf32, #tpu.memory_space<vmem>>
          %dma_start3A_164 = arith.constant 0 : i32
          %dma_start3A_165 = tpu.memref_slice %arg2[%dma_start3A_164, %multiple_of3A] : memref<16x1000000xf32, #tpu.memory_space<hbm>> -> memref<16x128xf32, #tpu.memory_space<hbm>>
          tpu.enqueue_dma source(%dma_start3A_165 : memref<16x128xf32, #tpu.memory_space<hbm>>) target(%dma_start3A_163 : memref<16x128xf32, #tpu.memory_space<vmem>>) target_semaphore(%arg16 : memref<!tpu.dma_semaphore, #tpu.memory_space<semaphore_mem>>)
        } else {
        }
      } else {
      }
      %mul3A_116 = arith.constant 8 : i32
      %mul3A_117 = arith.muli %scan3A_35, %mul3A_116 : i32
      %add3A_118 = arith.constant 6 : i32
      %add3A_119 = arith.addi %mul3A_117, %add3A_118 : i32
      %gt3A_120 = arith.constant 0 : i32
      %gt3A_121 = arith.cmpi sgt, %scan3A_35, %gt3A_120 : i32
      %convert_element_type3A_122 = arith.extui %gt3A_121 : i1 to i32
      %cond3A_123 = arith.constant 0 : i32
      %cond3A_124 = arith.cmpi ne, %convert_element_type3A_122, %cond3A_123 : i32
      scf.if %cond3A_124 {
        %sub3A = arith.constant 8 : i32
        %sub3A_144 = arith.subi %add3A_119, %sub3A : i32
        %get3A = arith.index_cast %sub3A_144 : i32 to index
        %get3A_145 = tpu.vector_load %arg6[%get3A] {strides = array<i32>} : memref<528xi32, #tpu.memory_space<vmem>>, vector<16xi32>,
        %slice3A = vector.extract_strided_slice %get3A_145 {offsets = [0], sizes = [1], strides = [1]} : vector<16xi32> to vector<1xi32>
        %squeeze3A = vector.extract %slice3A[0] : i32 from vector<1xi32>
        %shift_right_arithmetic3A = arith.constant 7 : i32
        %shift_right_arithmetic3A_146 = arith.shrsi %squeeze3A, %shift_right_arithmetic3A : i32
        %lt3A_147 = arith.constant 7812 : i32
        %lt3A_148 = arith.cmpi slt, %shift_right_arithmetic3A_146, %lt3A_147 : i32
        %convert_element_type3A_149 = arith.extui %lt3A_148 : i1 to i32
        %cond3A_150 = arith.constant 0 : i32
        %cond3A_151 = arith.cmpi ne, %convert_element_type3A_149, %cond3A_150 : i32
        scf.if %cond3A_151 {
          %dma_wait3A_170 = arith.constant 6 : i32
          %dma_wait3A_171 = arith.constant 0 : i32
          %dma_wait3A_172 = arith.constant 0 : i32
          %dma_wait3A_173 = tpu.memref_slice %arg7[%dma_wait3A_170, %dma_wait3A_171, %dma_wait3A_172] : memref<8x16x128xf32, #tpu.memory_space<vmem>> -> memref<1x16x128xf32, #tpu.memory_space<vmem>>
          %dma_wait3A_174 = tpu.memref_squeeze %dma_wait3A_173 : memref<1x16x128xf32, #tpu.memory_space<vmem>> -> memref<16x128xf32, #tpu.memory_space<vmem>>
          %dma_wait3A_175 = arith.constant 0 : i32
          %dma_wait3A_176 = arith.constant 0 : i32
          %dma_wait3A_177 = tpu.memref_slice %arg2[%dma_wait3A_175, %dma_wait3A_176] : memref<16x1000000xf32, #tpu.memory_space<hbm>> -> memref<16x128xf32, #tpu.memory_space<hbm>>
          %dma_wait3A_178 = arith.constant 0 : i32
          %dma_wait3A_179 = arith.constant 0 : i32
          %dma_wait3A_180 = tpu.memref_slice %arg7[%dma_wait3A_170, %dma_wait3A_178, %dma_wait3A_179] : memref<8x16x128xf32, #tpu.memory_space<vmem>> -> memref<1x16x128xf32, #tpu.memory_space<vmem>>
          %dma_wait3A_181 = tpu.memref_squeeze %dma_wait3A_180 : memref<1x16x128xf32, #tpu.memory_space<vmem>> -> memref<16x128xf32, #tpu.memory_space<vmem>>
          %dma_wait3A_182 = arith.constant 0 : i32
          %dma_wait3A_183 = arith.constant 0 : i32
          %dma_wait3A_184 = tpu.memref_slice %arg2[%dma_wait3A_182, %dma_wait3A_183] : memref<16x1000000xf32, #tpu.memory_space<hbm>> -> memref<16x128xf32, #tpu.memory_space<hbm>>
          tpu.wait_dma2 semaphore(%arg17 : memref<!tpu.dma_semaphore, #tpu.memory_space<semaphore_mem>>) src(%dma_wait3A_184 : memref<16x128xf32, #tpu.memory_space<hbm>>) dst(%dma_wait3A_181 : memref<16x128xf32, #tpu.memory_space<vmem>>)
        } else {
        }
        %sub3A_152 = arith.constant 8 : i32
        %sub3A_153 = arith.subi %add3A_119, %sub3A_152 : i32
        %get3A_154 = arith.index_cast %sub3A_153 : i32 to index
        %get3A_155 = tpu.vector_load %arg6[%get3A_154] {strides = array<i32>} : memref<528xi32, #tpu.memory_space<vmem>>, vector<16xi32>,
        %slice3A_156 = vector.extract_strided_slice %get3A_155 {offsets = [0], sizes = [1], strides = [1]} : vector<16xi32> to vector<1xi32>
        %squeeze3A_157 = vector.extract %slice3A_156[0] : i32 from vector<1xi32>
        %shift_right_arithmetic3A_158 = arith.constant 7 : i32
        %shift_right_arithmetic3A_159 = arith.shrsi %squeeze3A_157, %shift_right_arithmetic3A_158 : i32
        %broadcast_in_dim3A = vector.broadcast %squeeze3A_157 : i32 to vector<16xi32>
        %iota3A_160 = tpu.iota {dimensions = array<i32: 0>} : vector<16xi32>
        %lt3A_161 = arith.constant 7812 : i32
        %lt3A_162 = arith.cmpi slt, %shift_right_arithmetic3A_159, %lt3A_161 : i32
        %convert_element_type3A_163 = arith.extui %lt3A_162 : i1 to i32
        %cond3A_164 = arith.constant 0 : i32
        %cond3A_165 = arith.cmpi ne, %convert_element_type3A_163, %cond3A_164 : i32
        scf.if %cond3A_165 {
          %and3A_170 = arith.constant 127 : i32
          %and3A_171 = vector.broadcast %and3A_170 : i32 to vector<16xi32>
          %and3A_172 = arith.andi %broadcast_in_dim3A, %and3A_171 : vector<16xi32>
          %gather3A_173 = arith.constant 6 : i32
          %gather3A_174 = arith.constant 0 : i32
          %gather3A_175 = arith.constant 0 : i32
          %gather3A_176 = tpu.memref_slice %arg7[%gather3A_173, %gather3A_174, %gather3A_175] : memref<8x16x128xf32, #tpu.memory_space<vmem>> -> memref<1x16x128xf32, #tpu.memory_space<vmem>>
          %gather3A_177 = tpu.memref_squeeze %gather3A_176 : memref<1x16x128xf32, #tpu.memory_space<vmem>> -> memref<16x128xf32, #tpu.memory_space<vmem>>
          %gather3A_178 = tpu.vector_load_idx %gather3A_177[%iota3A_160, %and3A_172] : memref<16x128xf32, #tpu.memory_space<vmem>>[vector<16xi32>, vector<16xi32>], vector<16xf32>,
          %mul3A_179 = arith.constant 512 : i32
          %mul3A_180 = vector.broadcast %mul3A_179 : i32 to vector<16xi32>
          %mul3A_181 = arith.muli %iota3A_160, %mul3A_180 : vector<16xi32>
          %add3A_182 = vector.broadcast %sub3A_153 : i32 to vector<16xi32>
          %add3A_183 = arith.addi %mul3A_181, %add3A_182 : vector<16xi32>
          tpu.vector_store_idx %arg8[%add3A_183], %gather3A_178 : memref<8192xf32, #tpu.memory_space<vmem>>[vector<16xi32>], vector<16xf32>,
        } else {
        }
        %ge3A = arith.constant 7812 : i32
        %ge3A_166 = arith.cmpi sge, %shift_right_arithmetic3A_159, %ge3A : i32
        %convert_element_type3A_167 = arith.extui %ge3A_166 : i1 to i32
        %cond3A_168 = arith.constant 0 : i32
        %cond3A_169 = arith.cmpi ne, %convert_element_type3A_167, %cond3A_168 : i32
        scf.if %cond3A_169 {
          %mul3A_170 = arith.constant 64 : i32
          %mul3A_171 = vector.broadcast %mul3A_170 : i32 to vector<16xi32>
          %mul3A_172 = arith.muli %iota3A_160, %mul3A_171 : vector<16xi32>
          %sub3A_173 = arith.constant 999936 : i32
          %sub3A_174 = vector.broadcast %sub3A_173 : i32 to vector<16xi32>
          %sub3A_175 = arith.subi %broadcast_in_dim3A, %sub3A_174 : vector<16xi32>
          %add3A_176 = arith.addi %mul3A_172, %sub3A_175 : vector<16xi32>
          %gather3A_177 = tpu.vector_load_idx %arg9[%add3A_176] : memref<1024xf32, #tpu.memory_space<vmem>>[vector<16xi32>], vector<16xf32>,
          %mul3A_178 = arith.constant 512 : i32
          %mul3A_179 = vector.broadcast %mul3A_178 : i32 to vector<16xi32>
          %mul3A_180 = arith.muli %iota3A_160, %mul3A_179 : vector<16xi32>
          %add3A_181 = vector.broadcast %sub3A_153 : i32 to vector<16xi32>
          %add3A_182 = arith.addi %mul3A_180, %add3A_181 : vector<16xi32>
          tpu.vector_store_idx %arg8[%add3A_182], %gather3A_177 : memref<8192xf32, #tpu.memory_space<vmem>>[vector<16xi32>], vector<16xf32>,
        } else {
        }
      } else {
      }
      %lt3A_125 = arith.constant 512 : i32
      %lt3A_126 = arith.cmpi slt, %add3A_119, %lt3A_125 : i32
      %convert_element_type3A_127 = arith.extui %lt3A_126 : i1 to i32
      %cond3A_128 = arith.constant 0 : i32
      %cond3A_129 = arith.cmpi ne, %convert_element_type3A_127, %cond3A_128 : i32
      scf.if %cond3A_129 {
        %get3A = arith.index_cast %add3A_119 : i32 to index
        %get3A_144 = tpu.vector_load %arg6[%get3A] {strides = array<i32>} : memref<528xi32, #tpu.memory_space<vmem>>, vector<16xi32>,
        %slice3A = vector.extract_strided_slice %get3A_144 {offsets = [0], sizes = [1], strides = [1]} : vector<16xi32> to vector<1xi32>
        %squeeze3A = vector.extract %slice3A[0] : i32 from vector<1xi32>
        %shift_right_arithmetic3A = arith.constant 7 : i32
        %shift_right_arithmetic3A_145 = arith.shrsi %squeeze3A, %shift_right_arithmetic3A : i32
        %lt3A_146 = arith.constant 7812 : i32
        %lt3A_147 = arith.cmpi slt, %shift_right_arithmetic3A_145, %lt3A_146 : i32
        %convert_element_type3A_148 = arith.extui %lt3A_147 : i1 to i32
        %cond3A_149 = arith.constant 0 : i32
        %cond3A_150 = arith.cmpi ne, %convert_element_type3A_148, %cond3A_149 : i32
        scf.if %cond3A_150 {
          %mul3A_151 = arith.constant 128 : i32
          %mul3A_152 = arith.muli %shift_right_arithmetic3A_145, %mul3A_151 : i32
          %multiple_of3A = tpu.assume_multiple %mul3A_152, 128 : i32
          %dma_start3A_153 = arith.constant 6 : i32
          %dma_start3A_154 = arith.constant 0 : i32
          %dma_start3A_155 = arith.constant 0 : i32
          %dma_start3A_156 = tpu.memref_slice %arg7[%dma_start3A_153, %dma_start3A_154, %dma_start3A_155] : memref<8x16x128xf32, #tpu.memory_space<vmem>> -> memref<1x16x128xf32, #tpu.memory_space<vmem>>
          %dma_start3A_157 = tpu.memref_squeeze %dma_start3A_156 : memref<1x16x128xf32, #tpu.memory_space<vmem>> -> memref<16x128xf32, #tpu.memory_space<vmem>>
          %dma_start3A_158 = arith.constant 0 : i32
          %dma_start3A_159 = tpu.memref_slice %arg2[%dma_start3A_158, %multiple_of3A] : memref<16x1000000xf32, #tpu.memory_space<hbm>> -> memref<16x128xf32, #tpu.memory_space<hbm>>
          %dma_start3A_160 = arith.constant 0 : i32
          %dma_start3A_161 = arith.constant 0 : i32
          %dma_start3A_162 = tpu.memref_slice %arg7[%dma_start3A_153, %dma_start3A_160, %dma_start3A_161] : memref<8x16x128xf32, #tpu.memory_space<vmem>> -> memref<1x16x128xf32, #tpu.memory_space<vmem>>
          %dma_start3A_163 = tpu.memref_squeeze %dma_start3A_162 : memref<1x16x128xf32, #tpu.memory_space<vmem>> -> memref<16x128xf32, #tpu.memory_space<vmem>>
          %dma_start3A_164 = arith.constant 0 : i32
          %dma_start3A_165 = tpu.memref_slice %arg2[%dma_start3A_164, %multiple_of3A] : memref<16x1000000xf32, #tpu.memory_space<hbm>> -> memref<16x128xf32, #tpu.memory_space<hbm>>
          tpu.enqueue_dma source(%dma_start3A_165 : memref<16x128xf32, #tpu.memory_space<hbm>>) target(%dma_start3A_163 : memref<16x128xf32, #tpu.memory_space<vmem>>) target_semaphore(%arg17 : memref<!tpu.dma_semaphore, #tpu.memory_space<semaphore_mem>>)
        } else {
        }
      } else {
      }
      %mul3A_130 = arith.constant 8 : i32
      %mul3A_131 = arith.muli %scan3A_35, %mul3A_130 : i32
      %add3A_132 = arith.constant 7 : i32
      %add3A_133 = arith.addi %mul3A_131, %add3A_132 : i32
      %gt3A_134 = arith.constant 0 : i32
      %gt3A_135 = arith.cmpi sgt, %scan3A_35, %gt3A_134 : i32
      %convert_element_type3A_136 = arith.extui %gt3A_135 : i1 to i32
      %cond3A_137 = arith.constant 0 : i32
      %cond3A_138 = arith.cmpi ne, %convert_element_type3A_136, %cond3A_137 : i32
      scf.if %cond3A_138 {
        %sub3A = arith.constant 8 : i32
        %sub3A_144 = arith.subi %add3A_133, %sub3A : i32
        %get3A = arith.index_cast %sub3A_144 : i32 to index
        %get3A_145 = tpu.vector_load %arg6[%get3A] {strides = array<i32>} : memref<528xi32, #tpu.memory_space<vmem>>, vector<16xi32>,
        %slice3A = vector.extract_strided_slice %get3A_145 {offsets = [0], sizes = [1], strides = [1]} : vector<16xi32> to vector<1xi32>
        %squeeze3A = vector.extract %slice3A[0] : i32 from vector<1xi32>
        %shift_right_arithmetic3A = arith.constant 7 : i32
        %shift_right_arithmetic3A_146 = arith.shrsi %squeeze3A, %shift_right_arithmetic3A : i32
        %lt3A_147 = arith.constant 7812 : i32
        %lt3A_148 = arith.cmpi slt, %shift_right_arithmetic3A_146, %lt3A_147 : i32
        %convert_element_type3A_149 = arith.extui %lt3A_148 : i1 to i32
        %cond3A_150 = arith.constant 0 : i32
        %cond3A_151 = arith.cmpi ne, %convert_element_type3A_149, %cond3A_150 : i32
        scf.if %cond3A_151 {
          %dma_wait3A_170 = arith.constant 7 : i32
          %dma_wait3A_171 = arith.constant 0 : i32
          %dma_wait3A_172 = arith.constant 0 : i32
          %dma_wait3A_173 = tpu.memref_slice %arg7[%dma_wait3A_170, %dma_wait3A_171, %dma_wait3A_172] : memref<8x16x128xf32, #tpu.memory_space<vmem>> -> memref<1x16x128xf32, #tpu.memory_space<vmem>>
          %dma_wait3A_174 = tpu.memref_squeeze %dma_wait3A_173 : memref<1x16x128xf32, #tpu.memory_space<vmem>> -> memref<16x128xf32, #tpu.memory_space<vmem>>
          %dma_wait3A_175 = arith.constant 0 : i32
          %dma_wait3A_176 = arith.constant 0 : i32
          %dma_wait3A_177 = tpu.memref_slice %arg2[%dma_wait3A_175, %dma_wait3A_176] : memref<16x1000000xf32, #tpu.memory_space<hbm>> -> memref<16x128xf32, #tpu.memory_space<hbm>>
          %dma_wait3A_178 = arith.constant 0 : i32
          %dma_wait3A_179 = arith.constant 0 : i32
          %dma_wait3A_180 = tpu.memref_slice %arg7[%dma_wait3A_170, %dma_wait3A_178, %dma_wait3A_179] : memref<8x16x128xf32, #tpu.memory_space<vmem>> -> memref<1x16x128xf32, #tpu.memory_space<vmem>>
          %dma_wait3A_181 = tpu.memref_squeeze %dma_wait3A_180 : memref<1x16x128xf32, #tpu.memory_space<vmem>> -> memref<16x128xf32, #tpu.memory_space<vmem>>
          %dma_wait3A_182 = arith.constant 0 : i32
          %dma_wait3A_183 = arith.constant 0 : i32
          %dma_wait3A_184 = tpu.memref_slice %arg2[%dma_wait3A_182, %dma_wait3A_183] : memref<16x1000000xf32, #tpu.memory_space<hbm>> -> memref<16x128xf32, #tpu.memory_space<hbm>>
          tpu.wait_dma2 semaphore(%arg18 : memref<!tpu.dma_semaphore, #tpu.memory_space<semaphore_mem>>) src(%dma_wait3A_184 : memref<16x128xf32, #tpu.memory_space<hbm>>) dst(%dma_wait3A_181 : memref<16x128xf32, #tpu.memory_space<vmem>>)
        } else {
        }
        %sub3A_152 = arith.constant 8 : i32
        %sub3A_153 = arith.subi %add3A_133, %sub3A_152 : i32
        %get3A_154 = arith.index_cast %sub3A_153 : i32 to index
        %get3A_155 = tpu.vector_load %arg6[%get3A_154] {strides = array<i32>} : memref<528xi32, #tpu.memory_space<vmem>>, vector<16xi32>,
        %slice3A_156 = vector.extract_strided_slice %get3A_155 {offsets = [0], sizes = [1], strides = [1]} : vector<16xi32> to vector<1xi32>
        %squeeze3A_157 = vector.extract %slice3A_156[0] : i32 from vector<1xi32>
        %shift_right_arithmetic3A_158 = arith.constant 7 : i32
        %shift_right_arithmetic3A_159 = arith.shrsi %squeeze3A_157, %shift_right_arithmetic3A_158 : i32
        %broadcast_in_dim3A = vector.broadcast %squeeze3A_157 : i32 to vector<16xi32>
        %iota3A_160 = tpu.iota {dimensions = array<i32: 0>} : vector<16xi32>
        %lt3A_161 = arith.constant 7812 : i32
        %lt3A_162 = arith.cmpi slt, %shift_right_arithmetic3A_159, %lt3A_161 : i32
        %convert_element_type3A_163 = arith.extui %lt3A_162 : i1 to i32
        %cond3A_164 = arith.constant 0 : i32
        %cond3A_165 = arith.cmpi ne, %convert_element_type3A_163, %cond3A_164 : i32
        scf.if %cond3A_165 {
          %and3A_170 = arith.constant 127 : i32
          %and3A_171 = vector.broadcast %and3A_170 : i32 to vector<16xi32>
          %and3A_172 = arith.andi %broadcast_in_dim3A, %and3A_171 : vector<16xi32>
          %gather3A_173 = arith.constant 7 : i32
          %gather3A_174 = arith.constant 0 : i32
          %gather3A_175 = arith.constant 0 : i32
          %gather3A_176 = tpu.memref_slice %arg7[%gather3A_173, %gather3A_174, %gather3A_175] : memref<8x16x128xf32, #tpu.memory_space<vmem>> -> memref<1x16x128xf32, #tpu.memory_space<vmem>>
          %gather3A_177 = tpu.memref_squeeze %gather3A_176 : memref<1x16x128xf32, #tpu.memory_space<vmem>> -> memref<16x128xf32, #tpu.memory_space<vmem>>
          %gather3A_178 = tpu.vector_load_idx %gather3A_177[%iota3A_160, %and3A_172] : memref<16x128xf32, #tpu.memory_space<vmem>>[vector<16xi32>, vector<16xi32>], vector<16xf32>,
          %mul3A_179 = arith.constant 512 : i32
          %mul3A_180 = vector.broadcast %mul3A_179 : i32 to vector<16xi32>
          %mul3A_181 = arith.muli %iota3A_160, %mul3A_180 : vector<16xi32>
          %add3A_182 = vector.broadcast %sub3A_153 : i32 to vector<16xi32>
          %add3A_183 = arith.addi %mul3A_181, %add3A_182 : vector<16xi32>
          tpu.vector_store_idx %arg8[%add3A_183], %gather3A_178 : memref<8192xf32, #tpu.memory_space<vmem>>[vector<16xi32>], vector<16xf32>,
        } else {
        }
        %ge3A = arith.constant 7812 : i32
        %ge3A_166 = arith.cmpi sge, %shift_right_arithmetic3A_159, %ge3A : i32
        %convert_element_type3A_167 = arith.extui %ge3A_166 : i1 to i32
        %cond3A_168 = arith.constant 0 : i32
        %cond3A_169 = arith.cmpi ne, %convert_element_type3A_167, %cond3A_168 : i32
        scf.if %cond3A_169 {
          %mul3A_170 = arith.constant 64 : i32
          %mul3A_171 = vector.broadcast %mul3A_170 : i32 to vector<16xi32>
          %mul3A_172 = arith.muli %iota3A_160, %mul3A_171 : vector<16xi32>
          %sub3A_173 = arith.constant 999936 : i32
          %sub3A_174 = vector.broadcast %sub3A_173 : i32 to vector<16xi32>
          %sub3A_175 = arith.subi %broadcast_in_dim3A, %sub3A_174 : vector<16xi32>
          %add3A_176 = arith.addi %mul3A_172, %sub3A_175 : vector<16xi32>
          %gather3A_177 = tpu.vector_load_idx %arg9[%add3A_176] : memref<1024xf32, #tpu.memory_space<vmem>>[vector<16xi32>], vector<16xf32>,
          %mul3A_178 = arith.constant 512 : i32
          %mul3A_179 = vector.broadcast %mul3A_178 : i32 to vector<16xi32>
          %mul3A_180 = arith.muli %iota3A_160, %mul3A_179 : vector<16xi32>
          %add3A_181 = vector.broadcast %sub3A_153 : i32 to vector<16xi32>
          %add3A_182 = arith.addi %mul3A_180, %add3A_181 : vector<16xi32>
          tpu.vector_store_idx %arg8[%add3A_182], %gather3A_177 : memref<8192xf32, #tpu.memory_space<vmem>>[vector<16xi32>], vector<16xf32>,
        } else {
        }
      } else {
      }
      %lt3A_139 = arith.constant 512 : i32
      %lt3A_140 = arith.cmpi slt, %add3A_133, %lt3A_139 : i32
      %convert_element_type3A_141 = arith.extui %lt3A_140 : i1 to i32
      %cond3A_142 = arith.constant 0 : i32
      %cond3A_143 = arith.cmpi ne, %convert_element_type3A_141, %cond3A_142 : i32
      scf.if %cond3A_143 {
        %get3A = arith.index_cast %add3A_133 : i32 to index
        %get3A_144 = tpu.vector_load %arg6[%get3A] {strides = array<i32>} : memref<528xi32, #tpu.memory_space<vmem>>, vector<16xi32>,
        %slice3A = vector.extract_strided_slice %get3A_144 {offsets = [0], sizes = [1], strides = [1]} : vector<16xi32> to vector<1xi32>
        %squeeze3A = vector.extract %slice3A[0] : i32 from vector<1xi32>
        %shift_right_arithmetic3A = arith.constant 7 : i32
        %shift_right_arithmetic3A_145 = arith.shrsi %squeeze3A, %shift_right_arithmetic3A : i32
        %lt3A_146 = arith.constant 7812 : i32
        %lt3A_147 = arith.cmpi slt, %shift_right_arithmetic3A_145, %lt3A_146 : i32
        %convert_element_type3A_148 = arith.extui %lt3A_147 : i1 to i32
        %cond3A_149 = arith.constant 0 : i32
        %cond3A_150 = arith.cmpi ne, %convert_element_type3A_148, %cond3A_149 : i32
        scf.if %cond3A_150 {
          %mul3A_151 = arith.constant 128 : i32
          %mul3A_152 = arith.muli %shift_right_arithmetic3A_145, %mul3A_151 : i32
          %multiple_of3A = tpu.assume_multiple %mul3A_152, 128 : i32
          %dma_start3A_153 = arith.constant 7 : i32
          %dma_start3A_154 = arith.constant 0 : i32
          %dma_start3A_155 = arith.constant 0 : i32
          %dma_start3A_156 = tpu.memref_slice %arg7[%dma_start3A_153, %dma_start3A_154, %dma_start3A_155] : memref<8x16x128xf32, #tpu.memory_space<vmem>> -> memref<1x16x128xf32, #tpu.memory_space<vmem>>
          %dma_start3A_157 = tpu.memref_squeeze %dma_start3A_156 : memref<1x16x128xf32, #tpu.memory_space<vmem>> -> memref<16x128xf32, #tpu.memory_space<vmem>>
          %dma_start3A_158 = arith.constant 0 : i32
          %dma_start3A_159 = tpu.memref_slice %arg2[%dma_start3A_158, %multiple_of3A] : memref<16x1000000xf32, #tpu.memory_space<hbm>> -> memref<16x128xf32, #tpu.memory_space<hbm>>
          %dma_start3A_160 = arith.constant 0 : i32
          %dma_start3A_161 = arith.constant 0 : i32
          %dma_start3A_162 = tpu.memref_slice %arg7[%dma_start3A_153, %dma_start3A_160, %dma_start3A_161] : memref<8x16x128xf32, #tpu.memory_space<vmem>> -> memref<1x16x128xf32, #tpu.memory_space<vmem>>
          %dma_start3A_163 = tpu.memref_squeeze %dma_start3A_162 : memref<1x16x128xf32, #tpu.memory_space<vmem>> -> memref<16x128xf32, #tpu.memory_space<vmem>>
          %dma_start3A_164 = arith.constant 0 : i32
          %dma_start3A_165 = tpu.memref_slice %arg2[%dma_start3A_164, %multiple_of3A] : memref<16x1000000xf32, #tpu.memory_space<hbm>> -> memref<16x128xf32, #tpu.memory_space<hbm>>
          tpu.enqueue_dma source(%dma_start3A_165 : memref<16x128xf32, #tpu.memory_space<hbm>>) target(%dma_start3A_163 : memref<16x128xf32, #tpu.memory_space<vmem>>) target_semaphore(%arg18 : memref<!tpu.dma_semaphore, #tpu.memory_space<semaphore_mem>>)
        } else {
        }
      } else {
      }
    }
    %scan3A_17 = arith.constant 65 : i32
    %iota3A = tpu.iota {dimensions = array<i32: 0>} : vector<16xi32>
    %mul3A_18 = arith.constant 512 : i32
    %mul3A_19 = vector.broadcast %mul3A_18 : i32 to vector<16xi32>
    %mul3A_20 = arith.muli %iota3A, %mul3A_19 : vector<16xi32>
    %add3A_21 = arith.constant 511 : i32
    %add3A_22 = vector.broadcast %add3A_21 : i32 to vector<16xi32>
    %add3A_23 = arith.addi %mul3A_20, %add3A_22 : vector<16xi32>
    %gather3A = tpu.vector_load_idx %arg8[%add3A_23] : memref<8192xf32, #tpu.memory_space<vmem>>[vector<16xi32>], vector<16xf32>,
    %bitcast3A = vector.bitcast %gather3A : vector<16xf32> to vector<16xi32>
    %reduce_max3A = arith.constant true
    %reduce_max3A_24 = vector.broadcast %reduce_max3A : i1 to vector<16xi1>
    %reduce_max3A_25 = arith.constant -2147483648 : i32
    %reduce_max3A_26 = vector.broadcast %reduce_max3A_25 : i32 to vector<16xi32>
    %reduce_max3A_27 = arith.xori %bitcast3A, %reduce_max3A_26 : vector<16xi32>
    %reduce_max3A_28 = tpu.scan <max>, %reduce_max3A_27 masked %reduce_max3A_24 : vector<16xi32>, vector<16xi1> -> vector<16xi32>
    %reduce_max3A_29 = arith.xori %reduce_max3A_28, %reduce_max3A_26 : vector<16xi32>
    %reduce_max3A_30 = vector.extract %reduce_max3A_29[15] : i32 from vector<16xi32>
    %and3A = arith.constant 0 : i32
    %and3A_31 = arith.andi %reduce_max3A_30, %and3A : i32
    %mul3A_32 = arith.constant 16 : i32
    %mul3A_33 = arith.muli %mul3A_2, %mul3A_32 : i32
    %add3A_34 = arith.addi %mul3A_33, %and3A_31 : i32
    "tpu.region"() ({
      %run_scoped3A = tpu.sem_alloc : memref<!tpu.dma_semaphore, #tpu.memory_space<semaphore_mem>>
      %dma_start3A_35 = tpu.memref_slice %arg5[%add3A_34] : memref<262144xf32, #tpu.memory_space<hbm>> -> memref<8192xf32, #tpu.memory_space<hbm>>
      %dma_start3A_36 = tpu.memref_slice %arg5[%add3A_34] : memref<262144xf32, #tpu.memory_space<hbm>> -> memref<8192xf32, #tpu.memory_space<hbm>>
      tpu.enqueue_dma source(%arg8 : memref<8192xf32, #tpu.memory_space<vmem>>) target(%dma_start3A_36 : memref<8192xf32, #tpu.memory_space<hbm>>) target_semaphore(%run_scoped3A : memref<!tpu.dma_semaphore, #tpu.memory_space<semaphore_mem>>)
      %dma_wait3A_37 = tpu.memref_slice %arg5[%add3A_34] : memref<262144xf32, #tpu.memory_space<hbm>> -> memref<8192xf32, #tpu.memory_space<hbm>>
      %dma_wait3A_38 = tpu.memref_slice %arg5[%add3A_34] : memref<262144xf32, #tpu.memory_space<hbm>> -> memref<8192xf32, #tpu.memory_space<hbm>>
      tpu.wait_dma2 semaphore(%run_scoped3A : memref<!tpu.dma_semaphore, #tpu.memory_space<semaphore_mem>>) src(%arg8 : memref<8192xf32, #tpu.memory_space<vmem>>) dst(%dma_wait3A_38 : memref<8192xf32, #tpu.memory_space<hbm>>)
      tpu.yield
    }) : () -> ()
    return
  }
}

</mosaic_0001>

<sc_bundles>
// kernel: kernel.3.cloned.1.call-start
scs
__scs_entry_jumppad:
0x0: {  	(pc) =	sbr.rel $0x88, $3  }
0x1: {  	(tag) =	ssettag $0x0;
	lr =	simm.s32 $0x1  }
0x2: {  	[smem:$0x3F9F] =	sst lr;
	_ =	strace $0xD0000000  }
0x3: {  	_ = 	snop  }
0x4: {  	_ = 	snop  }
0x5: {  	_ = 	snop  }
0x6: {  	_ = 	snop  }
0x7: {  	_ = 	snop  }
__scs_overlays_trampoline_lowered:
0x8: {  	[smem:$0x3FAE] =	sst s0  }
0x9: {  	[smem:$0x3FAF] =	sst s1  }
0xa: {  	[smem:$0x3FB0] =	sst s2  }
0xb: {  	[smem:$0x3FB1] =	sst s3  }
0xc: {  	[smem:$0x3FB2] =	sst s4  }
0xd: {  	[smem:$0x3FB3] =	sst s5  }
0xe: {  	[smem:$0x3FB4] =	sst s6  }
0xf: {  	[smem:$0x3FB5] =	sst s7  }
0x10: {  	[smem:$0x3FB6] =	sst s8  }
0x11: {  	[smem:$0x3FB7] =	sst s9;
	s0 =	simm.s32 @!p0 $0x0  }
0x12: {  	s1 =	sld [smem:$0x3F9D];
	s0 =	simm.s32 @p0 $0x1  }
0x13: {  	[smem:$0x3FB8] =	sst s0;
	s0 =	simm.s32 @!p1 $0x0  }
0x14: {  	s2 =	sld [smem:$0x3F9C];
	s0 =	simm.s32 @p1 $0x1  }
0x15: {  	[smem:$0x3FB9] =	sst s0;
	s0 =	simm.s32 @!p2 $0x0  }
0x16: {  	s3 =	sld [smem:$0x3FDB];
	s0 =	simm.s32 @p2 $0x1  }
0x17: {  	s4 =	simm.s32 $0x1BF5;
	[smem:$0x3FBB] =	sst s0  }
0x18: {  	s0 =	sld [smem:$0x3F9E];
	_ =	swait.ge [sflag:s4], $0x0  }
0x19: {  	s7 =	sld [smem:$0x3F9F]  }
0x1a: {  	s8 =	sadd.s32 $0xFFFFE003, lr  }
0x1b: {  	s9 =	sadd.s32 $0xFFFFFEF7, lr;
	s5 =	simm.s32 $0xFFFFFFFF;
	p2 =	slt.u32 s8, $0xFFFFF086  }
0x1c: {  	p1 =	slt.u32 s9, $0xF7A;
	s5 =	simm.s32 @!p2 $0x0  }
0x1d: {  	s5 =	simm.s32 @p1 $0x1;
	p0 =	seq.s32 s7, s2  }
0x1e: {  	s7 =	smul.u32 @!p0 $0xF7A, s2;
	p2 =	seq.s32 @!p0 s5, $0x0  }
0x1f: {  	s9 =	smul.u32 $0xF7A, s1;
	s8 =	simm.s32 @!p0 $0x1BF5;
	p2 =	por !p2, p0  }
0x20: {  	[sflag:s8] =	ssyncset.s32 @!p0 $0xFFFFF086;
	s6 =	sadd.s32 @!p0 s3, s7;
	s7 =	simm.s32 @!p0 $0x108  }
0x21: {  	s3 =	sadd.s32 s3, s9;
	s6 =	sadd.s32 @!p0 $0x88, s6;
	s7 =	simm.s32 @p2 $0x1082  }
0x22: {  	[simem:s7], [sflag:s8] =	dma.local @!p0 [hbm:s6], $0xF7A  }
0x23: {  	s9 =	sor.u32 $0xD0000000, s2;
	s6 =	simm.s32 $0x108;
	_ =	swait.ge @!p0 [sflag:s8], $0x0  }
0x24: {  	s3 =	sadd.s32 $0x88, s3;
	s6 =	simm.s32 @!p1 $0x1082;
	[sflag:s4] =	ssyncset.s32 $0xFFFFF086  }
0x25: {  	[simem:s6], [sflag:s4] =	dma.local [hbm:s3], $0xF7A  }
0x26: {  	[smem:$0x3F9F] =	sst s1;
	(tag) =	ssettag s2;
	_ =	strace s9  }
0x27: {  	s1 =	sld [smem:$0x3FAF]  }
0x28: {  	s2 =	sld [smem:$0x3FB0]  }
0x29: {  	s4 =	sld [smem:$0x3FB2]  }
0x2a: {  	p0 =	seq.s32 s5, $0x0;
	s5 =	sld [smem:$0x3FB3]  }
0x2b: {  	s6 =	sld [smem:$0x3FB4]  }
0x2c: {  	s7 =	sld [smem:$0x3FB5]  }
0x2d: {  	s3 =	simm.s32 $0x108;
	s8 =	sld [smem:$0x3FB6]  }
0x2e: {  	s3 =	simm.s32 @!p0 $0x1082;
	s9 =	sld [smem:$0x3FB7]  }
0x2f: {  	lr =	sadd.s32 s0, s3;
	s0 =	sld [smem:$0x3FAE]  }
0x30: {  	s3 =	sld [smem:$0x3FB1]  }
0x31: {  	[smem:$0x3FBA] =	sst s10  }
0x32: {  	s10 =	sld [smem:$0x3FB8];
	_ =	sdelay $0x3  }
0x33: {  	p0 =	seq.s32 s10, $0x1;
	s10 =	sld [smem:$0x3FBA];
	_ =	sdelay $0x3  }
0x34: {  	[smem:$0x3FBA] =	sst s10  }
0x35: {  	s10 =	sld [smem:$0x3FB9];
	_ =	sdelay $0x3  }
0x36: {  	p1 =	seq.s32 s10, $0x1;
	s10 =	sld [smem:$0x3FBA];
	_ =	sdelay $0x3  }
0x37: {  	[smem:$0x3FBA] =	sst s10  }
0x38: {  	s10 =	sld [smem:$0x3FBB]  }
0x39: {  	_ = 	snop;
	(pc) =	sbr.ind lr, $3  }
0x3a: {  	_ = 	snop  }
0x3b: {  	_ = 	snop  }
0x3c: {  	p2 =	seq.s32 s10, $0x1;
	s10 =	sld [smem:$0x3FBA]  }
0x3d: {  	_ =	shalt  }
0x3e: {  	_ =	shalt  }
0x3f: {  	_ =	shalt  }
0x40: {  	_ =	shalt  }
0x41: {  	_ =	shalt  }
0x42: {  	_ =	shalt  }
0x43: {  	_ =	shalt  }
0x44: {  	_ =	shalt  }
0x45: {  	_ =	shalt  }
0x46: {  	_ =	shalt  }
0x47: {  	_ =	shalt  }
0x48: {  	_ =	shalt  }
0x49: {  	_ =	shalt  }
0x4a: {  	_ =	shalt  }
0x4b: {  	_ =	shalt  }
0x4c: {  	_ =	shalt  }
0x4d: {  	_ =	shalt  }
0x4e: {  	_ =	shalt  }
0x4f: {  	_ =	shalt  }
0x50: {  	_ =	shalt  }
0x51: {  	_ =	shalt  }
0x52: {  	_ =	shalt  }
0x53: {  	_ =	shalt  }
0x54: {  	_ =	shalt  }
0x55: {  	_ =	shalt  }
0x56: {  	_ =	shalt  }
0x57: {  	_ =	shalt  }
0x58: {  	_ =	shalt  }
0x59: {  	_ =	shalt  }
0x5a: {  	_ =	shalt  }
0x5b: {  	_ =	shalt  }
0x5c: {  	_ =	shalt  }
0x5d: {  	_ =	shalt  }
0x5e: {  	_ =	shalt  }
0x5f: {  	_ =	shalt  }
0x60: {  	_ =	shalt  }
0x61: {  	_ =	shalt  }
0x62: {  	_ =	shalt  }
0x63: {  	_ =	shalt  }
0x64: {  	_ =	shalt  }
0x65: {  	_ =	shalt  }
0x66: {  	_ =	shalt  }
0x67: {  	_ =	shalt  }
0x68: {  	_ =	shalt  }
0x69: {  	_ =	shalt  }
0x6a: {  	_ =	shalt  }
0x6b: {  	_ =	shalt  }
0x6c: {  	_ =	shalt  }
0x6d: {  	_ =	shalt  }
0x6e: {  	_ =	shalt  }
0x6f: {  	_ =	shalt  }
0x70: {  	_ =	shalt  }
0x71: {  	_ =	shalt  }
0x72: {  	_ =	shalt  }
0x73: {  	_ =	shalt  }
0x74: {  	_ =	shalt  }
0x75: {  	_ =	shalt  }
0x76: {  	_ =	shalt  }
0x77: {  	_ =	shalt  }
0x78: {  	_ =	shalt  }
0x79: {  	_ =	shalt  }
0x7a: {  	_ =	shalt  }
0x7b: {  	_ =	shalt  }
0x7c: {  	_ =	shalt  }
0x7d: {  	_ =	shalt  }
0x7e: {  	_ =	shalt  }
0x7f: {  	_ =	shalt  }
0x80: {  	_ =	shalt  }
0x81: {  	_ =	shalt  }
0x82: {  	_ =	shalt  }
0x83: {  	_ =	shalt  }
0x84: {  	_ =	shalt  }
0x85: {  	_ =	shalt  }
0x86: {  	_ =	shalt  }
0x87: {  	_ =	shalt  }
.Lfunc_end0:
.L_simem_size_0:
called_computation_lowered:
.L_overlay_start_0:
0x88: {  	s2 =	sld [smem:$0x3FD9]  }
0x89: {  	s3 =	sld [smem:$0x3FFE];
	_ =	sdelay $0x1  }
0x8a: {  	s1 =	srdreg.scid  }
0x8b: {  	s0 =	sand.u32 $0x1, s1  }
0x8c: {  	s17 =	sshll.u32 s0, $0xA;
	s2 =	sadd.s32 s3, s2  }
0x8d: {  	s2 =	sadd.s32 s2, s17  }
0x8e: {  	[smem:$0x3FC6] =	sst s2  }
0x8f: {  	_ = 	snop  }
0x90: {  	s2 =	sld [smem:$0x3FC9]  }
0x91: {  	s18 =	sld [smem:$0x3FC8]  }
0x92: {  	s4 =	sld [smem:$0x3FD0];
	(tm) =	ssettm $0x1  }
0x93: {  	s5 =	sld [smem:$0x3FFB];
	_ =	sdelay $0x3  }
0x94: {  	_ =	strace s5  }
0x95: {  	s5 =	sld [smem:$0x3FFC];
	_ =	sdelay $0x3  }
0x96: {  	_ =	strace s5  }
0x97: {  	s5 =	sld [smem:$0x3FFD];
	_ =	sdelay $0x3  }
0x98: {  	_ =	strace s5  }
0x99: {  	_ =	strace $0x8FFFFFFF  }
0x9a: {  	s19 =	sld [smem:$0x3FDB];
	_ =	sdelay $0x1  }
0x9b: {  	s6 =	simm.s32 $_scs_section_size  }
0x9c: {  	s7 =	simm.s32 $_size__tile_overlayer_lowered;
	s8 =	simm.s32 $_tile_overlayer_lowered  }
0x9d: {  	s22 =	simm.s32 $0x1BFF;
	s21 =	sshll.u32 s8, $0x1;
	s5 =	sadd.s32 s6, s19  }
0x9e: {  	s9 =	simm.s32 $0x0;
	s20 =	sshll.u32 s7, $0x1;
	s7 =	sadd.s32 s21, s5  }
0x9f: {  	[timem:s9], [sflag:s22] =	dma.local [hbm:s7], s20  }
0xa0: {  	_ =	swait.ge [sflag:s22], s20  }
0xa1: {  	s6 =	ssub.s32 $0x0, s20;
	[sflag:s22] =	ssyncset.done $0x0  }
0xa2: {  	[sflag:s22] =	ssyncadd.s32 s6;
	_ =	sdelay $0x1  }
0xa3: {  	s23 =	simm.s32 $0x1B8B  }
0xa4: {  	_ =	swait.ge [sflag:s23], $0x1  }
0xa5: {  	[sflag:s23] =	ssyncset.done $0x0  }
0xa6: {  	s25 =	simm.s32 $0x1B8E;
	s24 =	sld [smem:$0x3FFE];
	[sflag:s23] =	ssyncadd.s32 $0xFFFFFFFF  }
0xa7: {  	s26 =	simm.s32 $execute0_lowered;
	[smem:$0x3FD2] =	sst s25  }
0xa8: {  	s7 =	sshll.u32 s26, $0x1;
	_ =	strace $0x80000046;
	[dreg:$0x1] =	wrdreg $0xFFFFFFFF  }
0xa9: {  	s28 =	simm.s32 $_size_execute0_lowered;
	s5 =	sadd.s32 s5, s7;
	[dreg:$0x0] =	wrdreg $0x0  }
0xaa: {  	s7 =	sshll.u32 s28, $0x1;
	[dreg:$0x2] =	wrdreg s5  }
0xab: {  	[dreg:$0x3] =	wrdreg s7  }
0xac: {  	[dreg:$0x4] =	wrdreg $0xC0  }
0xad: {  	_ =	task [dreg:s9], $0x5FFFF  }
0xae: {  	[dreg:$0x1] =	wrdreg $0xFFFFFFFF  }
0xaf: {  	[dreg:$0x0] =	wrdreg $0x60  }
0xb0: {  	[dreg:$0x2] =	wrdreg s18  }
0xb1: {  	[dreg:$0x3] =	wrdreg s24  }
0xb2: {  	[dreg:$0x4] =	wrdreg s2  }
0xb3: {  	[dreg:$0x5] =	wrdreg s4  }
0xb4: {  	[dreg:$0x6] =	wrdreg $0x9  }
0xb5: {  	_ =	task.clear_ibuf [dreg:s9], $0x7FFFF;
	_ =	strace $0x90000046  }
0xb6: {  	s29 =	simm.s32 $0x9;
	_ =	strace $0x80000048  }
0xb7: {  	_ =	swait.ge [sflag:s29], $0x1  }
0xb8: {  	[sflag:s29] =	ssyncadd.s32 $0xFFFFFFFF  }
0xb9: {  	_ =	strace $0x90000048  }
0xba: {  	_ =	sfence  }
0xbb: {  	s30 =	sld [smem:$0x0];
	_ =	sdelay $0x2  }
0xbc: {  	s31 =	sshll.u32 s1, $0xD;
	s1 =	sshrl.u32 s1, $0x2  }
0xbd: {  	s3 =	sand.u32 $0x4000, s31;
	s1 =	sadd.s32 s1, s30  }
0xbe: {  	s0 =	sor.u32 s3, s0;
	s1 =	sshll.u32 s1, $0x11  }
0xbf: {  	s0 =	sor.u32 s1, s0  }
0xc0: {  	s0 =	sadd.s32 $0x8F2B, s0  }
0xc1: {  	[sflag:s0] =	ssyncadd.remote.s32 $0x1  }
0xc2: {  	_ =	sfence.sel $0xFFFF  }
0xc3: {  	[dreg:$0x0] =	wrdreg $0xFFFFFFFF;
	(pc) =	sbr.abs _section_cstart, $3  }
0xc4: {  	[dreg:$0x1] =	wrdreg $0xFFFFFFFF  }
0xc5: {  	_ =	task.clear_ibuf [dreg:s9], $0x2FFFF;
	_ =	strace $0x9FFFFFFF  }
0xc6: {  	(tm) =	ssettm $0x7FFFFFFF  }
0xc7: {  	_ =	shalt  }
tec
execute0_lowered:
.L_overlay_start_1:
0x0: {  	(tag) =	ssettag $0x1  }
0x1: {  	s1 =	rddreg [dreg:$0x0]  }
0x2: {  	s4 =	rddreg [dreg:$0x1]  }
0x3: {  	s5 =	rddreg [dreg:$0x2]  }
0x4: {  	s6 =	rddreg [dreg:$0x3];
	s3 =	simm.s32 $0x0  }
0x5: {  	s7 =	srdreg.scid;
	s0 =	stileid.u32;
	s11 =	simm.s32 $0x4280  }
0x6: {  	s12 =	simm.s32 $0x9;
	s13 =	simm.s32 $0x3A80;
	s14 =	simm.s32 $0x8  }
0x7: {  	s15 =	simm.s32 $0x3280;
	s16 =	simm.s32 $0x7;
	s17 =	simm.s32 $0x2A80  }
0x8: {  	s18 =	simm.s32 $0x6;
	s19 =	simm.s32 $0x2280;
	s20 =	simm.s32 $0x5  }
0x9: {  	s21 =	simm.s32 $0x1A80;
	s22 =	simm.s32 $0x4;
	s23 =	simm.s32 $0x1280  }
0xa: {  	s24 =	simm.s32 $0x3;
	s25 =	simm.s32 $0xA80;
	s26 =	simm.s32 $0x0  }
0xb: {  	[smem:$0x7FF] =	sst s3;
	s7 =	sand.u32 $0x1, s7;
	s8 =	sshll.u32 s0, $0x1  }
.Ltmp0:
0xc: {  	s4 =	sadd.s32 $0x400, s4;
	s9 =	ssub.s32 $0x2, s7;
	(pc) =	sbr.rel .LBB2_1-.Ltmp0, $4  }
0xd: {  	v1 =	vlaneseq.u32;
	_ =	strace $0x80000047;
	s7 =	sor.u32 s7, s8;
	s31 =	sshrl.u32 s9, $0x1  }
0xe: {  	v2 =	vmul.u32 $0x40, v1;
	s10 =	sshll.u32 s7, $0x6;
	s7 =	sshll.u32 s7, $0xA;
	s8 =	ssub.s32 s9, s31  }
0xf: {  	s5 =	sadd.s32 s5, s10;
	s6 =	sadd.s32 s6, s7;
	s9 =	simm.s32 $0x6280  }
0x10: {  	v0 =	vmul.u32 $0x80, v1;
	v1 =	vmul.u32 $0x200, v1;
	v2 =	vadd.s32 $0xFFF0BE00, v2;
	s10 =	simm.s32 $0xA;
	s7 =	smax.u32 s8, $0x1;
	s8 =	simm.s32 $0x1  }
.LBB2_18:
0x11: {  	s26 =	sadd.s32 $0x1, s26  }
0x12: {  	p0 =	sne.s32 s26, s7  }
.Ltmp1:
0x13: {  	_ = 	snop;
	(pc) =	sbr.rel @!p0 .LBB2_19-.Ltmp1, $4  }
0x14: {  	[hbm4b:s6+s3] =	stream.linear.scatter [tilespmem:s11], [sflag:$0xA], $0x2000, $0x38;
	[tilespmem:$0x6680] =	vst v63  }
0x15: {  	_ =	swait.ge [sflag:s10], $0x2000  }
0x16: {  	[sflag:s10] =	ssyncset.done $0x0  }
0x17: {  	[sflag:s10] =	ssyncadd.s32 $0xFFFFE000  }
.LBB2_1:
0x18: {  	[tilespmem:s3], [sflag:$0x1] =	stream.linear.gather [hbm4b:s5+s3], $0x200, $0x38;
	[tilespmem:$0x6680] =	vst v63  }
0x19: {  	_ =	swait.ge [sflag:s8], $0x200  }
0x1a: {  	[sflag:s8] =	ssyncset.done $0x0  }
.Ltmp2:
0x1b: {  	[sflag:s8] =	ssyncadd.s32 $0xFFFFFE00;
	(pc) =	sbr.rel .LBB2_2-.Ltmp2, $4  }
0x1c: {  	[tilespmem:s9], [sflag:$0xA] =	stream.linear.gather [hbm4b:s4+s3], $0x400, $0x38;
	[tilespmem:$0x6680] =	vst v63  }
0x1d: {  	_ =	swait.ge [sflag:s10], $0x400  }
0x1e: {  	[sflag:s10] =	ssyncset.done $0x0  }
0x1f: {  	s28 =	simm.s32 $0xFFFFFFF8;
	s29 =	simm.s32 $0x0;
	[sflag:s10] =	ssyncadd.s32 $0xFFFFFC00  }
.LBB2_16:
0x20: {  	v3 =	vld [tilespmem:s29+$0x7];
	_ =	sdelay $0x4  }
0x21: {  	(v2sf) =	vpush v3, $0x0;
	_ =	sdelay $0xe  }
0x22: {  	s0 =	spop (v2sf)  }
0x23: {  	p0 =	sgt.s32 s0, $0xF41FF  }
0x24: {  	s0 =	sand.u32 @!p0 $0xFFFFF80, s0;
	s2 =	simm.s32 @!p0 $0x400  }
0x25: {  	s30 =	simm.s32 @!p0 $0x7A1400;
	s31 =	simm.s32 @!p0 $0x3A80;
	s0 =	sadd.s32 @!p0 s1, s0  }
0x26: {  	[tilespmem:s31], [sflag:$0x9] =	stream.strided.gather @!p0 [hbm4b:s0+s2], $0x800, s30, s2, $0x38;
	[tilespmem:$0x6680] =	vst v63  }
.LBB2_17:
0x27: {  	s28 =	sadd.s32 $0x8, s28  }
0x28: {  	p0 =	sne.s32 s28, $0x200  }
.Ltmp3:
0x29: {  	_ = 	snop;
	(pc) =	sbr.rel @!p0 .LBB2_18-.Ltmp3, $2  }
0x2a: {  	_ =	sdelay $0x2  }
0x2b: {  	s29 =	sadd.s32 $0x8, s29  }
.LBB2_2:
0x2c: {  	p0 =	seq.s32 s28, $0xFFFFFFF8  }
0x2d: {  	v3 =	vld @!p0 [tilespmem:s29+$0xFFFFFFF8];
	_ =	sdelay $0x4  }
0x2e: {  	(v2sf) =	vpush @!p0 v3, $0x0;
	_ =	sdelay $0xe  }
0x2f: {  	s30 =	spop @!p0 (v2sf)  }
0x30: {  	p2 =	sgt.s32 @!p0 s30, $0xF41FF  }
0x31: {  	p1 =	por !p2, p0  }
0x32: {  	v4 =	vlaneseq.u32 @!p1  }
0x33: {  	v4 =	vmul.u32 @!p1 $0x40, v4  }
0x34: {  	v5 =	vbroadcast @!p1 v3, $0x0  }
0x35: {  	v4 =	vadd.s32 @!p1 $0xFFF0BE00, v4  }
0x36: {  	p2 =	por p2, p0;
	v4 =	vadd.s32 @!p1 v4, v5  }
0x37: {  	v3 =	vand.u32 @!p2 $0x7F, v3;
	v5 =	vlaneseq.u32 @!p2  }
0x38: {  	v3 =	vbroadcast @!p2 v3, $0x0;
	v5 =	vmul.u32 @!p2 $0x80, v5;
	_ =	sdelay $0x1  }
0x39: {  	s30 =	simm.s32 @!p1 $0x6280;
	v3 =	vor.u32 @!p2 v5, v3  }
0x3a: {  	v5 =	vlaneseq.u32 @!p0;
	v4 =	vld.idx.msk @!p1 [tilespmem:v4+s30+$0x0], $0xffff;
	s30 =	simm.s32 @!p2 $0x2  }
0x3b: {  	v5 =	vmul.u32 @!p0 $0x200, v5;
	_ =	swait.ge @!p2 [sflag:s30], $0x800  }
0x3c: {  	[sflag:s30] =	ssyncset.done @!p2 $0x0  }
0x3d: {  	v6 =	vmov @!p0 s28;
	v5 =	vadd.s32 @!p0 s28, v5;
	[sflag:s30] =	ssyncadd.s32 @!p2 $0xFFFFF800;
	s30 =	simm.s32 @!p2 $0x280  }
0x3e: {  	v6 =	vand.u32 @!p0 $0x78, v6;
	v5 =	vand.u32 @!p0 $0xFFFFFF80, v5;
	v3 =	vld.idx.msk @!p2 [tilespmem:v3+s30+$0x0], $0xffff  }
0x3f: {  	v5 =	vor.u32 @!p0 v6, v5;
	_ =	sdelay $0x3  }
0x40: {  	s30 =	simm.s32 @!p0 $0x4280;
	v3 =	vpsel p1, v3, v4;
	p1 =	seq.s32 @!p0 s28, $0x1F8  }
0x41: {  	[tilespmem:v5+s30+$0x0] =	vst.idx.msk @!p0 $0xffff, v3;
	p1 =	por p0, !p1  }
0x42: {  	v3 =	vld @p1 [tilespmem:s29+$0x0];
	_ =	sdelay $0x4  }
0x43: {  	(v2sf) =	vpush @p1 v3, $0x0;
	_ =	sdelay $0xe  }
0x44: {  	s30 =	spop @p1 (v2sf)  }
0x45: {  	p2 =	sgt.s32 @p1 s30, $0xF41FF  }
0x46: {  	p2 =	por p2, !p1  }
0x47: {  	s30 =	sand.u32 @!p2 $0xFFFFF80, s30;
	s31 =	simm.s32 @!p2 $0x400  }
0x48: {  	s0 =	simm.s32 @!p2 $0x7A1400;
	s2 =	simm.s32 @!p2 $0x280;
	s30 =	sadd.s32 @!p2 s1, s30  }
0x49: {  	[tilespmem:s2], [sflag:$0x2] =	stream.strided.gather @!p2 [hbm4b:s30+s31], $0x800, s0, s31, $0x38;
	[tilespmem:$0x6680] =	vst v63  }
0x4a: {  	p2 =	seq.s32 @p1 s28, $0xFFFFFFF8  }
0x4b: {  	p2 =	por !p1, !p2  }
.Ltmp4:
0x4c: {  	_ = 	snop;
	(pc) =	sbr.rel @!p2 .LBB2_4-.Ltmp4, $1  }
0x4d: {  	_ =	sdelay $0x3  }
0x4e: {  	v3 =	vld [tilespmem:s29+$0xFFFFFFF9];
	_ =	sdelay $0x4  }
0x4f: {  	(v2sf) =	vpush v3, $0x0;
	_ =	sdelay $0xe  }
0x50: {  	s0 =	spop (v2sf)  }
0x51: {  	p4 =	sgt.s32 s0, $0xF41FF  }
0x52: {  	v3 =	vbroadcast @p4 v3, $0x0;
	_ =	sdelay $0x1  }
0x53: {  	v3 =	vadd.s32 @p4 v2, v3;
	_ =	sdelay $0x4  }
0x54: {  	v3 =	vld.idx.msk @p4 [tilespmem:v3+s9+$0x0], $0xffff;
	_ =	sdelay $0x4  }
0x55: {  	v3 =	vand.u32 @!p4 $0x7F, v3  }
0x56: {  	v3 =	vbroadcast @!p4 v3, $0x0;
	_ =	sdelay $0x1  }
0x57: {  	s30 =	sadd.s32 $0x1, s28;
	v3 =	vor.u32 @!p4 v0, v3  }
0x58: {  	v4 =	vmov @p4 s30;
	v5 =	vadd.s32 @p4 s30, v1  }
0x59: {  	v5 =	vand.u32 @p4 $0xFFFFFF80, v5;
	v4 =	vand.u32 @p4 $0x79, v4;
	_ =	swait.ge @!p4 [sflag:s24], $0x800  }
0x5a: {  	v4 =	vmov @!p4 s30;
	v5 =	vadd.s32 @!p4 s30, v1;
	[sflag:s24] =	ssyncset.done @!p4 $0x0  }
0x5b: {  	p3 =	por @!p0 $0x1, $0x1;
	p2 =	por @p1 $0x0, $0x0;
	v5 =	vand.u32 @!p4 $0xFFFFFF80, v5;
	v4 =	vand.u32 @!p4 $0x79, v4;
	[sflag:s24] =	ssyncadd.s32 @!p4 $0xFFFFF800  }
0x5c: {  	p2 =	por @!p1 p3, p3;
	v4 =	vor.u32 v4, v5;
	v3 =	vld.idx.msk @!p4 [tilespmem:v3+s25+$0x0], $0xffff  }
.Ltmp5:
0x5d: {  	_ = 	snop;
	(pc) =	sbr.rel @p2 .LBB2_5-.Ltmp5, $2  }
0x5e: {  	_ =	sdelay $0x2  }
0x5f: {  	p1 =	por $0x1, $0x1;
	[tilespmem:v4+s11+$0x0] =	vst.idx.msk $0xffff, v3  }
.LBB2_4:
0x60: {  	v3 =	vld [tilespmem:s29+$0x1];
	_ =	sdelay $0x4  }
0x61: {  	(v2sf) =	vpush v3, $0x0;
	_ =	sdelay $0xe  }
0x62: {  	s0 =	spop (v2sf)  }
.Ltmp6:
0x63: {  	p1 =	sgt.s32 s0, $0xF41FF;
	(pc) =	sbr.rel @p0 .LBB2_6-.Ltmp6, $4  }
0x64: {  	s0 =	sand.u32 @!p1 $0xFFFFF80, s0;
	s2 =	simm.s32 @!p1 $0x400  }
0x65: {  	s30 =	simm.s32 @!p1 $0x7A1400;
	s31 =	simm.s32 @!p1 $0xA80;
	s0 =	sadd.s32 @!p1 s1, s0  }
0x66: {  	[tilespmem:s31], [sflag:$0x3] =	stream.strided.gather @!p1 [hbm4b:s0+s2], $0x800, s30, s2, $0x38;
	[tilespmem:$0x6680] =	vst v63  }
0x67: {  	p1 =	por $0x0, $0x0  }
.LBB2_5:
0x68: {  	v3 =	vld [tilespmem:s29+$0xFFFFFFFA];
	_ =	sdelay $0x4  }
0x69: {  	(v2sf) =	vpush v3, $0x0;
	_ =	sdelay $0xe  }
0x6a: {  	s0 =	spop (v2sf)  }
0x6b: {  	p2 =	sgt.s32 s0, $0xF41FF  }
0x6c: {  	v3 =	vbroadcast @p2 v3, $0x0;
	_ =	sdelay $0x1  }
0x6d: {  	v3 =	vadd.s32 @p2 v2, v3;
	_ =	sdelay $0x4  }
0x6e: {  	v3 =	vld.idx.msk @p2 [tilespmem:v3+s9+$0x0], $0xffff;
	_ =	sdelay $0x4  }
0x6f: {  	v3 =	vand.u32 @!p2 $0x7F, v3  }
0x70: {  	v3 =	vbroadcast @!p2 v3, $0x0;
	_ =	sdelay $0x1  }
0x71: {  	s30 =	sadd.s32 $0x2, s28;
	v3 =	vor.u32 @!p2 v0, v3  }
0x72: {  	v4 =	vmov @p2 s30;
	v5 =	vadd.s32 @p2 s30, v1  }
0x73: {  	v5 =	vand.u32 @p2 $0xFFFFFF80, v5;
	v4 =	vand.u32 @p2 $0x7A, v4;
	_ =	swait.ge @!p2 [sflag:s22], $0x800  }
0x74: {  	v4 =	vmov @!p2 s30;
	v5 =	vadd.s32 @!p2 s30, v1;
	[sflag:s22] =	ssyncset.done @!p2 $0x0  }
0x75: {  	v5 =	vand.u32 @!p2 $0xFFFFFF80, v5;
	v4 =	vand.u32 @!p2 $0x7A, v4;
	[sflag:s22] =	ssyncadd.s32 @!p2 $0xFFFFF800  }
0x76: {  	v4 =	vor.u32 v4, v5;
	v3 =	vld.idx.msk @!p2 [tilespmem:v3+s23+$0x0], $0xffff  }
.Ltmp7:
0x77: {  	_ = 	snop;
	(pc) =	sbr.rel @p1 .LBB2_7-.Ltmp7, $2  }
0x78: {  	_ =	sdelay $0x2  }
0x79: {  	p2 =	por $0x1, $0x1;
	[tilespmem:v4+s11+$0x0] =	vst.idx.msk $0xffff, v3  }
.LBB2_6:
0x7a: {  	v3 =	vld [tilespmem:s29+$0x2];
	_ =	sdelay $0x4  }
0x7b: {  	(v2sf) =	vpush v3, $0x0;
	_ =	sdelay $0xe  }
.Ltmp8:
0x7c: {  	s0 =	spop (v2sf);
	(pc) =	sbr.rel @p0 .LBB2_8-.Ltmp8, $4  }
0x7d: {  	p1 =	sgt.s32 s0, $0xF41FF  }
0x7e: {  	p2 =	por $0x0, $0x0;
	s0 =	sand.u32 @!p1 $0xFFFFF80, s0;
	s2 =	simm.s32 @!p1 $0x400  }
0x7f: {  	s30 =	simm.s32 @!p1 $0x7A1400;
	s31 =	simm.s32 @!p1 $0x1280;
	s0 =	sadd.s32 @!p1 s1, s0  }
0x80: {  	[tilespmem:s31], [sflag:$0x4] =	stream.strided.gather @!p1 [hbm4b:s0+s2], $0x800, s30, s2, $0x38;
	[tilespmem:$0x6680] =	vst v63  }
.LBB2_7:
0x81: {  	v3 =	vld [tilespmem:s29+$0xFFFFFFFB];
	_ =	sdelay $0x4  }
0x82: {  	(v2sf) =	vpush v3, $0x0;
	_ =	sdelay $0xe  }
0x83: {  	s0 =	spop (v2sf)  }
0x84: {  	p1 =	sgt.s32 s0, $0xF41FF  }
0x85: {  	v3 =	vbroadcast @p1 v3, $0x0;
	_ =	sdelay $0x1  }
0x86: {  	v3 =	vadd.s32 @p1 v2, v3;
	_ =	sdelay $0x4  }
0x87: {  	v3 =	vld.idx.msk @p1 [tilespmem:v3+s9+$0x0], $0xffff;
	_ =	sdelay $0x4  }
0x88: {  	v3 =	vand.u32 @!p1 $0x7F, v3  }
0x89: {  	v3 =	vbroadcast @!p1 v3, $0x0;
	_ =	sdelay $0x1  }
0x8a: {  	s30 =	sadd.s32 $0x3, s28;
	v3 =	vor.u32 @!p1 v0, v3  }
0x8b: {  	v4 =	vmov @p1 s30;
	v5 =	vadd.s32 @p1 s30, v1  }
0x8c: {  	v5 =	vand.u32 @p1 $0xFFFFFF80, v5;
	v4 =	vand.u32 @p1 $0x7B, v4;
	_ =	swait.ge @!p1 [sflag:s20], $0x800  }
0x8d: {  	v4 =	vmov @!p1 s30;
	v5 =	vadd.s32 @!p1 s30, v1;
	[sflag:s20] =	ssyncset.done @!p1 $0x0  }
0x8e: {  	v5 =	vand.u32 @!p1 $0xFFFFFF80, v5;
	v4 =	vand.u32 @!p1 $0x7B, v4;
	[sflag:s20] =	ssyncadd.s32 @!p1 $0xFFFFF800  }
0x8f: {  	v4 =	vor.u32 v4, v5;
	v3 =	vld.idx.msk @!p1 [tilespmem:v3+s21+$0x0], $0xffff  }
.Ltmp9:
0x90: {  	_ = 	snop;
	(pc) =	sbr.rel @p2 .LBB2_9-.Ltmp9, $2  }
0x91: {  	_ =	sdelay $0x2  }
0x92: {  	p1 =	por $0x1, $0x1;
	[tilespmem:v4+s11+$0x0] =	vst.idx.msk $0xffff, v3  }
.LBB2_8:
0x93: {  	v3 =	vld [tilespmem:s29+$0x3];
	_ =	sdelay $0x4  }
0x94: {  	(v2sf) =	vpush v3, $0x0;
	_ =	sdelay $0xe  }
0x95: {  	s0 =	spop (v2sf)  }
.Ltmp10:
0x96: {  	p1 =	sgt.s32 s0, $0xF41FF;
	(pc) =	sbr.rel @p0 .LBB2_10-.Ltmp10, $4  }
0x97: {  	s0 =	sand.u32 @!p1 $0xFFFFF80, s0;
	s2 =	simm.s32 @!p1 $0x400  }
0x98: {  	s30 =	simm.s32 @!p1 $0x7A1400;
	s31 =	simm.s32 @!p1 $0x1A80;
	s0 =	sadd.s32 @!p1 s1, s0  }
0x99: {  	[tilespmem:s31], [sflag:$0x5] =	stream.strided.gather @!p1 [hbm4b:s0+s2], $0x800, s30, s2, $0x38;
	[tilespmem:$0x6680] =	vst v63  }
0x9a: {  	p1 =	por $0x0, $0x0  }
.LBB2_9:
0x9b: {  	v3 =	vld [tilespmem:s29+$0xFFFFFFFC];
	_ =	sdelay $0x4  }
0x9c: {  	(v2sf) =	vpush v3, $0x0;
	_ =	sdelay $0xe  }
0x9d: {  	s0 =	spop (v2sf)  }
0x9e: {  	p2 =	sgt.s32 s0, $0xF41FF  }
0x9f: {  	v3 =	vbroadcast @p2 v3, $0x0;
	_ =	sdelay $0x1  }
0xa0: {  	v3 =	vadd.s32 @p2 v2, v3;
	_ =	sdelay $0x4  }
0xa1: {  	v3 =	vld.idx.msk @p2 [tilespmem:v3+s9+$0x0], $0xffff;
	_ =	sdelay $0x4  }
0xa2: {  	v3 =	vand.u32 @!p2 $0x7F, v3  }
0xa3: {  	v3 =	vbroadcast @!p2 v3, $0x0;
	_ =	sdelay $0x1  }
0xa4: {  	s30 =	sadd.s32 $0x4, s28;
	v3 =	vor.u32 @!p2 v0, v3  }
0xa5: {  	v4 =	vmov @p2 s30;
	v5 =	vadd.s32 @p2 s30, v1  }
0xa6: {  	v5 =	vand.u32 @p2 $0xFFFFFF80, v5;
	v4 =	vand.u32 @p2 $0x7C, v4;
	_ =	swait.ge @!p2 [sflag:s18], $0x800  }
0xa7: {  	v4 =	vmov @!p2 s30;
	v5 =	vadd.s32 @!p2 s30, v1;
	[sflag:s18] =	ssyncset.done @!p2 $0x0  }
0xa8: {  	v5 =	vand.u32 @!p2 $0xFFFFFF80, v5;
	v4 =	vand.u32 @!p2 $0x7C, v4;
	[sflag:s18] =	ssyncadd.s32 @!p2 $0xFFFFF800  }
0xa9: {  	v4 =	vor.u32 v4, v5;
	v3 =	vld.idx.msk @!p2 [tilespmem:v3+s19+$0x0], $0xffff  }
.Ltmp11:
0xaa: {  	_ = 	snop;
	(pc) =	sbr.rel @p1 .LBB2_11-.Ltmp11, $2  }
0xab: {  	_ =	sdelay $0x2  }
0xac: {  	p2 =	por $0x1, $0x1;
	[tilespmem:v4+s11+$0x0] =	vst.idx.msk $0xffff, v3  }
.LBB2_10:
0xad: {  	v3 =	vld [tilespmem:s29+$0x4];
	_ =	sdelay $0x4  }
0xae: {  	(v2sf) =	vpush v3, $0x0;
	_ =	sdelay $0xe  }
.Ltmp12:
0xaf: {  	s0 =	spop (v2sf);
	(pc) =	sbr.rel @p0 .LBB2_12-.Ltmp12, $4  }
0xb0: {  	p1 =	sgt.s32 s0, $0xF41FF  }
0xb1: {  	p2 =	por $0x0, $0x0;
	s0 =	sand.u32 @!p1 $0xFFFFF80, s0;
	s2 =	simm.s32 @!p1 $0x400  }
0xb2: {  	s30 =	simm.s32 @!p1 $0x7A1400;
	s31 =	simm.s32 @!p1 $0x2280;
	s0 =	sadd.s32 @!p1 s1, s0  }
0xb3: {  	[tilespmem:s31], [sflag:$0x6] =	stream.strided.gather @!p1 [hbm4b:s0+s2], $0x800, s30, s2, $0x38;
	[tilespmem:$0x6680] =	vst v63  }
.LBB2_11:
0xb4: {  	v3 =	vld [tilespmem:s29+$0xFFFFFFFD];
	_ =	sdelay $0x4  }
0xb5: {  	(v2sf) =	vpush v3, $0x0;
	_ =	sdelay $0xe  }
0xb6: {  	s0 =	spop (v2sf)  }
0xb7: {  	p1 =	sgt.s32 s0, $0xF41FF  }
0xb8: {  	v3 =	vbroadcast @p1 v3, $0x0;
	_ =	sdelay $0x1  }
0xb9: {  	v3 =	vadd.s32 @p1 v2, v3;
	_ =	sdelay $0x4  }
0xba: {  	v3 =	vld.idx.msk @p1 [tilespmem:v3+s9+$0x0], $0xffff;
	_ =	sdelay $0x4  }
0xbb: {  	v3 =	vand.u32 @!p1 $0x7F, v3  }
0xbc: {  	v3 =	vbroadcast @!p1 v3, $0x0;
	_ =	sdelay $0x1  }
0xbd: {  	s30 =	sadd.s32 $0x5, s28;
	v3 =	vor.u32 @!p1 v0, v3  }
0xbe: {  	v4 =	vmov @p1 s30;
	v5 =	vadd.s32 @p1 s30, v1  }
0xbf: {  	v5 =	vand.u32 @p1 $0xFFFFFF80, v5;
	v4 =	vand.u32 @p1 $0x7D, v4;
	_ =	swait.ge @!p1 [sflag:s16], $0x800  }
0xc0: {  	v4 =	vmov @!p1 s30;
	v5 =	vadd.s32 @!p1 s30, v1;
	[sflag:s16] =	ssyncset.done @!p1 $0x0  }
0xc1: {  	v5 =	vand.u32 @!p1 $0xFFFFFF80, v5;
	v4 =	vand.u32 @!p1 $0x7D, v4;
	[sflag:s16] =	ssyncadd.s32 @!p1 $0xFFFFF800  }
0xc2: {  	v4 =	vor.u32 v4, v5;
	v3 =	vld.idx.msk @!p1 [tilespmem:v3+s17+$0x0], $0xffff  }
.Ltmp13:
0xc3: {  	_ = 	snop;
	(pc) =	sbr.rel @p2 .LBB2_13-.Ltmp13, $2  }
0xc4: {  	_ =	sdelay $0x2  }
0xc5: {  	p1 =	por $0x1, $0x1;
	[tilespmem:v4+s11+$0x0] =	vst.idx.msk $0xffff, v3  }
.LBB2_12:
0xc6: {  	v3 =	vld [tilespmem:s29+$0x5];
	_ =	sdelay $0x4  }
0xc7: {  	(v2sf) =	vpush v3, $0x0;
	_ =	sdelay $0xe  }
0xc8: {  	s0 =	spop (v2sf)  }
.Ltmp14:
0xc9: {  	p1 =	sgt.s32 s0, $0xF41FF;
	(pc) =	sbr.rel @p0 .LBB2_14-.Ltmp14, $4  }
0xca: {  	s0 =	sand.u32 @!p1 $0xFFFFF80, s0;
	s2 =	simm.s32 @!p1 $0x400  }
0xcb: {  	s30 =	simm.s32 @!p1 $0x7A1400;
	s31 =	simm.s32 @!p1 $0x2A80;
	s0 =	sadd.s32 @!p1 s1, s0  }
0xcc: {  	[tilespmem:s31], [sflag:$0x7] =	stream.strided.gather @!p1 [hbm4b:s0+s2], $0x800, s30, s2, $0x38;
	[tilespmem:$0x6680] =	vst v63  }
0xcd: {  	p1 =	por $0x0, $0x0  }
.LBB2_13:
0xce: {  	v3 =	vld [tilespmem:s29+$0xFFFFFFFE];
	_ =	sdelay $0x4  }
0xcf: {  	(v2sf) =	vpush v3, $0x0;
	_ =	sdelay $0xe  }
0xd0: {  	s0 =	spop (v2sf)  }
0xd1: {  	p2 =	sgt.s32 s0, $0xF41FF  }
0xd2: {  	v3 =	vbroadcast @p2 v3, $0x0;
	_ =	sdelay $0x1  }
0xd3: {  	v3 =	vadd.s32 @p2 v2, v3;
	_ =	sdelay $0x4  }
0xd4: {  	v3 =	vld.idx.msk @p2 [tilespmem:v3+s9+$0x0], $0xffff;
	_ =	sdelay $0x4  }
0xd5: {  	v3 =	vand.u32 @!p2 $0x7F, v3  }
0xd6: {  	v3 =	vbroadcast @!p2 v3, $0x0;
	_ =	sdelay $0x1  }
0xd7: {  	s30 =	sadd.s32 $0x6, s28;
	v3 =	vor.u32 @!p2 v0, v3  }
0xd8: {  	v4 =	vmov @p2 s30;
	v5 =	vadd.s32 @p2 s30, v1  }
0xd9: {  	v5 =	vand.u32 @p2 $0xFFFFFF80, v5;
	v4 =	vand.u32 @p2 $0x7E, v4;
	_ =	swait.ge @!p2 [sflag:s14], $0x800  }
0xda: {  	v4 =	vmov @!p2 s30;
	v5 =	vadd.s32 @!p2 s30, v1;
	[sflag:s14] =	ssyncset.done @!p2 $0x0  }
0xdb: {  	v5 =	vand.u32 @!p2 $0xFFFFFF80, v5;
	v4 =	vand.u32 @!p2 $0x7E, v4;
	[sflag:s14] =	ssyncadd.s32 @!p2 $0xFFFFF800  }
0xdc: {  	v4 =	vor.u32 v4, v5;
	v3 =	vld.idx.msk @!p2 [tilespmem:v3+s15+$0x0], $0xffff  }
.Ltmp15:
0xdd: {  	_ = 	snop;
	(pc) =	sbr.rel @p1 .LBB2_15-.Ltmp15, $2  }
0xde: {  	_ =	sdelay $0x2  }
0xdf: {  	p2 =	por $0x1, $0x1;
	[tilespmem:v4+s11+$0x0] =	vst.idx.msk $0xffff, v3  }
.LBB2_14:
0xe0: {  	v3 =	vld [tilespmem:s29+$0x6];
	_ =	sdelay $0x4  }
0xe1: {  	(v2sf) =	vpush v3, $0x0;
	_ =	sdelay $0xe  }
.Ltmp16:
0xe2: {  	s0 =	spop (v2sf);
	(pc) =	sbr.rel @p0 .LBB2_16-.Ltmp16, $4  }
0xe3: {  	p1 =	sgt.s32 s0, $0xF41FF  }
0xe4: {  	p2 =	por $0x0, $0x0;
	s0 =	sand.u32 @!p1 $0xFFFFF80, s0;
	s2 =	simm.s32 @!p1 $0x400  }
0xe5: {  	s30 =	simm.s32 @!p1 $0x7A1400;
	s31 =	simm.s32 @!p1 $0x3280;
	s0 =	sadd.s32 @!p1 s1, s0  }
0xe6: {  	[tilespmem:s31], [sflag:$0x8] =	stream.strided.gather @!p1 [hbm4b:s0+s2], $0x800, s30, s2, $0x38;
	[tilespmem:$0x6680] =	vst v63  }
.LBB2_15:
0xe7: {  	v3 =	vld [tilespmem:s29+$0xFFFFFFFF];
	_ =	sdelay $0x4  }
0xe8: {  	(v2sf) =	vpush v3, $0x0;
	_ =	sdelay $0xe  }
0xe9: {  	s0 =	spop (v2sf)  }
0xea: {  	p0 =	sgt.s32 s0, $0xF41FF  }
0xeb: {  	v3 =	vbroadcast @p0 v3, $0x0;
	_ =	sdelay $0x1  }
0xec: {  	v3 =	vadd.s32 @p0 v2, v3;
	_ =	sdelay $0x4  }
0xed: {  	v3 =	vld.idx.msk @p0 [tilespmem:v3+s9+$0x0], $0xffff;
	_ =	sdelay $0x4  }
0xee: {  	v3 =	vand.u32 @!p0 $0x7F, v3  }
0xef: {  	v3 =	vbroadcast @!p0 v3, $0x0;
	_ =	sdelay $0x1  }
0xf0: {  	v3 =	vor.u32 @!p0 v0, v3;
	_ =	sdelay $0x1  }
0xf1: {  	_ =	swait.ge @!p0 [sflag:s12], $0x800  }
0xf2: {  	[sflag:s12] =	ssyncset.done @!p0 $0x0  }
0xf3: {  	s30 =	sadd.s32 $0x7, s28;
	[sflag:s12] =	ssyncadd.s32 @!p0 $0xFFFFF800  }
0xf4: {  	v4 =	vadd.s32 s30, v1;
	v3 =	vld.idx.msk @!p0 [tilespmem:v3+s13+$0x0], $0xffff  }
.Ltmp17:
0xf5: {  	_ = 	snop;
	(pc) =	sbr.rel @p2 .LBB2_17-.Ltmp17, $4  }
.Ltmp18:
0xf6: {  	_ = 	snop;
	(pc) =	sbr.rel @!p2 .LBB2_16-.Ltmp18, $4  }
0xf7: {  	_ = 	snop  }
0xf8: {  	_ = 	snop  }
0xf9: {  	[tilespmem:v4+s11+$0x0] =	vst.idx.msk $0xffff, v3  }
0xfa: {  	_ = 	snop  }
.LBB2_19:
0xfb: {  	_ =	sfence.sel $0x180000  }
0xfc: {  	[bflag:$0x0] =	sbarrier.arrive $0xFFFF  }
0xfd: {  	_ =	strace $0x90000047  }
0xfe: {  	s0 =	stileid.u32;
	[bflag:$0x2] =	sbarrier.arrive $0xFFFF  }
0xff: {  	p0 =	sne.s32 s0, $0x0;
	s0 =	rddreg [dreg:$0x4]  }
0x100: {  	s0 =	sadd.s32 @!p0 $0x100000, s0  }
0x101: {  	[sflag:s0] =	ssyncadd.tile.s32 @!p0 $0x1;
	_ =	shalt  }
.Lfunc_end2:
_tile_overlayer_lowered:
.L_overlay_start_2:
0x102: {  	(tag) =	ssettag $0x2  }
0x103: {  	s0 =	rddreg [dreg:$0x0];
	s2 =	stileid.u32  }
0x104: {  	s1 =	rddreg [dreg:$0x1];
	p0 =	sne.s32 s2, $0x0  }
0x105: {  	s3 =	rddreg [dreg:$0x2];
	[bflag:$0x3] =	sbarrier.arrive $0xFFFF;
	s2 =	simm.s32 @!p0 $0x1C0A  }
0x106: {  	[timem:s3], [sflag:s2] =	dma.local @!p0 [hbm:s0], s1  }
0x107: {  	s0 =	simm.s32 @!p0 $0xA  }
0x108: {  	_ =	swait.ge @!p0 [sflag:s0], s1  }
0x109: {  	s1 =	ssub.s32 @!p0 $0x0, s1;
	[sflag:s0] =	ssyncset.done @!p0 $0x0  }
0x10a: {  	[sflag:s0] =	ssyncadd.s32 @!p0 s1  }
0x10b: {  	[bflag:$0x3] =	sbarrier.arrive $0xFFFF  }
0x10c: {  	_ =	shalt  }

</sc_bundles>
